<compile_context>
chip_gen: v7x
topology: tpu7x:2x2x1
jax: 0.10.2.dev20260603
libtpu: 0.0.44.dev20260713+nightly
codegen_flags: <defaults>
</compile_context>

<pallas_src>
import functools

import numpy as np
import jax
import jax.numpy as jnp
from jax import lax
from jax.experimental import pallas as pl
from jax.experimental.pallas import tpu as pltpu
from jax.experimental.pallas import tpu_sc as plsc

B = 1024
MAX_OUT = 200
REL_DIM = 64
STATE_DIM = 128
PAD_ID = 0

NW = 32
CHUNK = 128
HALF = B // 2
NCH = (HALF * MAX_OUT) // (NW * CHUNK)
SMALL = (2 * B) // NW

BB = 64
PK = MAX_OUT // 2


def _uniform_constant():
    def rotl(x, d):
        return (x << np.uint32(d)) | (x >> np.uint32(32 - d))

    with np.errstate(over="ignore"):
        n = np.arange(B * MAX_OUT, dtype=np.uint32)
        ks = [np.uint32(0), np.uint32(1234),
              np.uint32(0) ^ np.uint32(1234) ^ np.uint32(0x1BD11BDA)]
        x = [np.zeros_like(n) + ks[0], n + ks[1]]
        rot0, rot1 = (13, 15, 26, 6), (17, 29, 16, 24)

        def rounds(x, rots):
            for r in rots:
                x[0] = x[0] + x[1]
                x[1] = x[0] ^ rotl(x[1], r)
            return x

        x = rounds(x, rot0); x[0] = x[0] + ks[1]; x[1] = x[1] + ks[2] + np.uint32(1)
        x = rounds(x, rot1); x[0] = x[0] + ks[2]; x[1] = x[1] + ks[0] + np.uint32(2)
        x = rounds(x, rot0); x[0] = x[0] + ks[0]; x[1] = x[1] + ks[1] + np.uint32(3)
        x = rounds(x, rot1); x[0] = x[0] + ks[1]; x[1] = x[1] + ks[2] + np.uint32(4)
        x = rounds(x, rot0); x[0] = x[0] + ks[2]; x[1] = x[1] + ks[0] + np.uint32(5)
        bits = x[0] ^ x[1]

    fb = (bits >> np.uint32(9)) | np.uint32(0x3F800000)
    u = fb.view(np.float32) - np.float32(1.0)
    tiny = np.float32(np.finfo(np.float32).tiny)
    u = np.maximum(tiny, (u * np.float32(1.0 - tiny) + tiny).astype(np.float32))
    return u.reshape(B, MAX_OUT)


_UNIFORM = _uniform_constant()

_SC_MESH = dict(core_axis_name="c", subcore_axis_name="s")



def _sc_gather_small(table, idx2):
    @functools.partial(
        pl.kernel,
        out_type=jax.ShapeDtypeStruct((2 * B, REL_DIM), jnp.float32),
        mesh=plsc.VectorSubcoreMesh(**_SC_MESH),
        compiler_params=pltpu.CompilerParams(use_tc_tiling_on_sc=False),
        scratch_types=[
            pltpu.VMEM((SMALL,), jnp.int32),
            pltpu.VMEM((SMALL, REL_DIM), jnp.float32),
            pltpu.SemaphoreType.DMA,
        ],
    )
    def k(table_hbm, idx_hbm, out_hbm, idx_v, buf, sem):
        wid = lax.axis_index("s") * 2 + lax.axis_index("c")
        pltpu.sync_copy(idx_hbm.at[wid], idx_v)
        pltpu.async_copy(table_hbm.at[idx_v], buf, sem).wait()
        pltpu.sync_copy(buf, out_hbm.at[pl.ds(wid * SMALL, SMALL)])

    return k(table, idx2)


def _sc_gather_big(table, idx3):
    @functools.partial(
        pl.kernel,
        out_type=jax.ShapeDtypeStruct((HALF * MAX_OUT, REL_DIM), jnp.float32),
        mesh=plsc.VectorSubcoreMesh(**_SC_MESH),
        compiler_params=pltpu.CompilerParams(use_tc_tiling_on_sc=False),
        scratch_types=[
            pltpu.VMEM((NCH, CHUNK), jnp.int32),
            pltpu.VMEM((CHUNK, REL_DIM), jnp.float32),
            pltpu.VMEM((CHUNK, REL_DIM), jnp.float32),
            pltpu.SemaphoreType.DMA,
            pltpu.SemaphoreType.DMA,
        ],
    )
    def k(table_hbm, idx_hbm, out_hbm, idx_v, buf0, buf1, sem0, sem1):
        wid = lax.axis_index("s") * 2 + lax.axis_index("c")
        pltpu.sync_copy(idx_hbm.at[wid], idx_v)
        base = wid * (NCH * CHUNK)

        pltpu.async_copy(table_hbm.at[idx_v.at[0]], buf0, sem0)

        def body(h, carry):
            j = 2 * h
            pltpu.async_copy(table_hbm.at[idx_v.at[j + 1]], buf1, sem1)
            pltpu.make_async_copy(table_hbm.at[idx_v.at[j]], buf0, sem0).wait()
            pltpu.sync_copy(buf0, out_hbm.at[pl.ds(base + j * CHUNK, CHUNK)])

            @pl.when(j + 2 < NCH)
            def _():
                pltpu.async_copy(table_hbm.at[idx_v.at[j + 2]], buf0, sem0)

            pltpu.make_async_copy(table_hbm.at[idx_v.at[j + 1]], buf1, sem1).wait()
            pltpu.sync_copy(buf1, out_hbm.at[pl.ds(base + (j + 1) * CHUNK, CHUNK)])
            return carry

        lax.fori_loop(0, NCH // 2, body, 0)

        if NCH % 2 == 1:
            last = NCH - 1
            pltpu.make_async_copy(table_hbm.at[idx_v.at[last]], buf0, sem0).wait()
            pltpu.sync_copy(buf0, out_hbm.at[pl.ds(base + last * CHUNK, CHUNK)])

    return k(table, idx3)



def _dense_body(pq_ref, h_ref, c_ref, wih_ref, whh_ref, bih_ref,
                bhh_ref, w1_ref, b1_ref, w2_ref, b2_ref,
                hout_ref, cout_ref, mlp_ref):
    dn = (((1,), (1,)), ((), ()))
    emb = pq_ref[:, :REL_DIM]
    q = pq_ref[:, REL_DIM:]
    gates = lax.dot_general(emb, wih_ref[...], dn,
                            preferred_element_type=jnp.float32)
    gates = gates + lax.dot_general(h_ref[...], whh_ref[...], dn,
                                    preferred_element_type=jnp.float32)
    gates = gates + bih_ref[...]
    gates = gates + bhh_ref[...]
    i = jax.nn.sigmoid(gates[:, :STATE_DIM])
    f = jax.nn.sigmoid(gates[:, STATE_DIM:2 * STATE_DIM])
    g = jnp.tanh(gates[:, 2 * STATE_DIM:3 * STATE_DIM])
    o = jax.nn.sigmoid(gates[:, 3 * STATE_DIM:])
    c_new = f * c_ref[...] + i * g
    h_new = o * jnp.tanh(c_new)
    hout_ref[...] = h_new
    cout_ref[...] = c_new
    sq = jnp.concatenate([h_new, q], axis=1)
    hid = jnp.maximum(
        lax.dot_general(sq, w1_ref[...], dn,
                        preferred_element_type=jnp.float32) + b1_ref[...], 0.0)
    mlp = jnp.maximum(
        lax.dot_general(hid, w2_ref[...], dn,
                        preferred_element_type=jnp.float32) + b2_ref[...], 0.0)
    mlp_ref[...] = mlp


def _dense(pq, h, c, W_ih, W_hh, b_ih, b_hh, W1, b1, W2, b2):
    return pl.pallas_call(
        _dense_body,
        out_shape=(
            jax.ShapeDtypeStruct((B, STATE_DIM), jnp.float32),
            jax.ShapeDtypeStruct((B, STATE_DIM), jnp.float32),
            jax.ShapeDtypeStruct((B, REL_DIM), jnp.float32),
        ),
    )(pq, h, c, W_ih, W_hh, b_ih.reshape(1, -1),
      b_hh.reshape(1, -1), W1, b1.reshape(1, -1), W2, b2.reshape(1, -1))



def _score_body(pk_ref, ids_ref, mlp_ref, u_ref,
                logits_ref, loss_ref, act_ref, cho_ref):
    pk = pk_ref[...]
    mlp = mlp_ref[...]
    mlpb = jnp.repeat(mlp, PK, axis=0)
    prod = pk * jnp.concatenate([mlpb, mlpb], axis=1)
    se = jnp.sum(prod[:, :REL_DIM], axis=1).reshape(BB, PK)
    so = jnp.sum(prod[:, REL_DIM:], axis=1).reshape(BB, PK)
    scores = jnp.stack([se, so], axis=-1).reshape(BB, MAX_OUT)
    ids = ids_ref[...]
    masked = jnp.where(ids == PAD_ID, jnp.float32(-99999.0), scores)
    gum = -jnp.log(-jnp.log(u_ref[...]))
    z = gum + masked
    zmax = jnp.max(z, axis=1, keepdims=True)
    miota = lax.broadcasted_iota(jnp.int32, (BB, MAX_OUT), 1)
    act = jnp.min(jnp.where(z == zmax, miota, MAX_OUT), axis=1, keepdims=True)
    act_ref[...] = act
    cho_ref[...] = jnp.sum(jnp.where(miota == act, ids, 0),
                           axis=1, keepdims=True)
    smax = jnp.max(masked, axis=1, keepdims=True)
    sh = masked - smax
    lse = jnp.log(jnp.sum(jnp.exp(sh), axis=1, keepdims=True))
    lg = sh - lse
    logits_ref[...] = lg
    loss_ref[...] = -jnp.sum(jnp.where(miota == act, lg, 0.0),
                             axis=1, keepdims=True)


def _score(packed, ids, mlp, u):
    grid = (HALF // BB,)
    return pl.pallas_call(
        _score_body,
        grid=grid,
        in_specs=[
            pl.BlockSpec((BB * PK, 2 * REL_DIM), lambda i: (i, 0)),
            pl.BlockSpec((BB, MAX_OUT), lambda i: (i, 0)),
            pl.BlockSpec((BB, REL_DIM), lambda i: (i, 0)),
            pl.BlockSpec((BB, MAX_OUT), lambda i: (i, 0)),
        ],
        out_specs=[
            pl.BlockSpec((BB, MAX_OUT), lambda i: (i, 0)),
            pl.BlockSpec((BB, 1), lambda i: (i, 0)),
            pl.BlockSpec((BB, 1), lambda i: (i, 0)),
            pl.BlockSpec((BB, 1), lambda i: (i, 0)),
        ],
        out_shape=(
            jax.ShapeDtypeStruct((HALF, MAX_OUT), jnp.float32),
            jax.ShapeDtypeStruct((HALF, 1), jnp.float32),
            jax.ShapeDtypeStruct((HALF, 1), jnp.int32),
            jax.ShapeDtypeStruct((HALF, 1), jnp.int32),
        ),
    )(packed, ids, mlp, u)


def kernel(prev_state_h, prev_state_c, prev_relation, actions_id, queries,
           rel_emb, W_ih, W_hh, b_ih, b_hh, W1, b1, W2, b2):
    out_ids = actions_id[:, :, 0]
    rel_lin = lax.optimization_barrier(rel_emb.reshape(-1))
    tbl = rel_lin.reshape(rel_emb.shape)
    small_ids = jnp.stack(
        [prev_relation.astype(jnp.int32), queries.astype(jnp.int32)],
        axis=1).reshape(NW, SMALL)
    rows_small = _sc_gather_small(tbl, small_ids)
    pq = rows_small.reshape(B, 2 * REL_DIM)

    h_new, c_new, mlp = _dense(pq, prev_state_h, prev_state_c,
                               W_ih, W_hh, b_ih, b_hh, W1, b1, W2, b2)
    u = jnp.asarray(_UNIFORM)

    halves = []
    for hh in range(2):
        ids_h = lax.slice_in_dim(out_ids, hh * HALF, (hh + 1) * HALF, axis=0)
        rows_h = _sc_gather_big(tbl, ids_h.reshape(NW, NCH, CHUNK))
        packed_h = rows_h.reshape((HALF * MAX_OUT) // 2, 2 * REL_DIM)
        mlp_h = lax.slice_in_dim(mlp, hh * HALF, (hh + 1) * HALF, axis=0)
        u_h = lax.slice_in_dim(u, hh * HALF, (hh + 1) * HALF, axis=0)
        halves.append(_score(packed_h, ids_h, mlp_h, u_h))
    logits = jnp.concatenate([halves[0][0], halves[1][0]], axis=0)
    loss2 = jnp.concatenate([halves[0][1], halves[1][1]], axis=0)
    act2 = jnp.concatenate([halves[0][2], halves[1][2]], axis=0)
    cho2 = jnp.concatenate([halves[0][3], halves[1][3]], axis=0)
    return (loss2[:, 0], logits, h_new, c_new, act2[:, 0], cho2[:, 0])

# --- scband reference (transcript-rebuilt; emitter-appended) ---
"""Pipeline reference for scband-agent-51994874085838 (READ-ONLY COPY).

The authoritative reference and input builder live on the scoring server;
editing this copy changes nothing except your own understanding.
"""

import jax, jax.numpy as jnp
import numpy as np

B = 1024
MAX_OUT = 200
NUM_REL = 100000
REL_DIM = 64
STATE_DIM = 128
ACT_DIM = 64
HIDDEN = 256
PAD_ID = 0


def setup_inputs(seed: int = 0):
    key = jax.random.key(seed)
    ks = jax.random.split(key, 16)
    inp = {}
    inp["prev_state_h"] = jax.random.normal(ks[0], (B, STATE_DIM), dtype=jnp.float32)
    inp["prev_state_c"] = jax.random.normal(ks[1], (B, STATE_DIM), dtype=jnp.float32)
    inp["prev_relation"] = jax.random.randint(ks[2], (B,), 0, NUM_REL)
    inp["actions_id"] = jax.random.randint(ks[3], (B, MAX_OUT, 2), 0, NUM_REL)
    inp["queries"] = jax.random.randint(ks[4], (B,), 0, NUM_REL)
    # learned parameters
    xav = float(np.sqrt(6.0 / (NUM_REL + REL_DIM)))
    inp["rel_emb"] = jax.random.uniform(ks[5], (NUM_REL, REL_DIM), minval=-xav, maxval=xav, dtype=jnp.float32)
    s = float(1.0 / np.sqrt(STATE_DIM))
    inp["W_ih"] = jax.random.uniform(ks[6], (4 * STATE_DIM, ACT_DIM), minval=-s, maxval=s, dtype=jnp.float32)
    inp["W_hh"] = jax.random.uniform(ks[7], (4 * STATE_DIM, STATE_DIM), minval=-s, maxval=s, dtype=jnp.float32)
    inp["b_ih"] = jax.random.uniform(ks[8], (4 * STATE_DIM,), minval=-s, maxval=s, dtype=jnp.float32)
    inp["b_hh"] = jax.random.uniform(ks[9], (4 * STATE_DIM,), minval=-s, maxval=s, dtype=jnp.float32)
    inp["W1"] = jax.random.normal(ks[10], (HIDDEN, STATE_DIM + REL_DIM), dtype=jnp.float32) * 0.05
    inp["b1"] = jnp.zeros((HIDDEN,), dtype=jnp.float32)
    inp["W2"] = jax.random.normal(ks[11], (ACT_DIM, HIDDEN), dtype=jnp.float32) * 0.05
    inp["b2"] = jnp.zeros((ACT_DIM,), dtype=jnp.float32)
    return inp


def reference(prev_state_h, prev_state_c, prev_relation, actions_id, queries,
              rel_emb, W_ih, W_hh, b_ih, b_hh, W1, b1, W2, b2):
    # Agent.step translated to jax. graph.get_out output is provided as actions_id.
    # embedding lookup of previous action relation
    prev_action_embedding = jnp.take(rel_emb, prev_relation, axis=0)
    # LSTMCell (PyTorch gate order: i, f, g, o)
    gates = prev_action_embedding @ W_ih.T + prev_state_h @ W_hh.T + b_ih + b_hh
    i, f, g, o = jnp.split(gates, 4, axis=1)
    i = jax.nn.sigmoid(i)
    f = jax.nn.sigmoid(f)
    g = jnp.tanh(g)
    o = jax.nn.sigmoid(o)
    c_new = f * prev_state_c + i * g
    h_new = o * jnp.tanh(c_new)
    output = h_new  # Policy_step returns (output, (output, new_state))
    # candidate actions
    out_relations_id = actions_id[:, :, 0]
    out_relations = jnp.take(rel_emb, out_relations_id, axis=0)  # [B, MAX_OUT, REL_DIM]
    action = out_relations
    current_state = output  # squeeze() is a no-op for B>1
    queries_embedding = jnp.take(rel_emb, queries, axis=0)
    state_query = jnp.concatenate([current_state, queries_embedding], axis=-1)
    # Policy_mlp
    hidden = jax.nn.relu(state_query @ W1.T + b1)
    mlp_out = jax.nn.relu(hidden @ W2.T + b2)[:, None, :]  # unsqueeze(1)
    prelim_scores = jnp.sum(mlp_out * action, axis=-1)  # [B, MAX_OUT]
    # mask padded actions
    mask = out_relations_id == PAD_ID
    dummy_scores = jnp.full_like(prelim_scores, -99999.0)
    scores = jnp.where(mask, dummy_scores, prelim_scores)
    # multinomial sampling from softmax(scores) == categorical over scores logits
    action_id = jax.random.categorical(jax.random.key(1234), scores, axis=1)[:, None]  # [B, 1]
    chosen_relation = jnp.take_along_axis(out_relations_id, action_id, axis=1).squeeze(1)
    logits = jax.nn.log_softmax(scores, axis=1)
    one_hot = jnp.zeros_like(logits).at[jnp.arange(logits.shape[0]), action_id[:, 0]].set(1.0)
    loss = -jnp.sum(logits * one_hot, axis=1)
    return (loss, logits, h_new, c_new, action_id.squeeze(1), chosen_relation)

if __name__ == "__main__":
    import jax
    _d = setup_inputs()
    print(jax.jit(kernel)(*tuple(_d.values())))

</pallas_src>

<mosaic_0001>
#map = affine_map<(d0, d1) -> (0, 0)>
#map1 = affine_map<(d0, d1) -> (0, 0, 0)>
module attributes {stable_mosaic.version = 14 : i64} {
  func.func @k(%arg0: i32, %arg1: i32, %arg2: memref<100000x64xf32, #tpu.memory_space<hbm>>, %arg3: memref<32x25x128xi32, #tpu.memory_space<hbm>>, %arg4: memref<102400x64xf32, #tpu.memory_space<hbm>>, %arg5: memref<25x128xi32, #tpu.memory_space<vmem>>, %arg6: memref<128x64xf32, #tpu.memory_space<vmem>>, %arg7: memref<128x64xf32, #tpu.memory_space<vmem>>, %arg8: memref<!tpu.dma_semaphore, #tpu.memory_space<semaphore_mem>>, %arg9: memref<!tpu.dma_semaphore, #tpu.memory_space<semaphore_mem>>) attributes {dimension_semantics = [#tpu.dimension_semantics<core_parallel>, #tpu.dimension_semantics<subcore_parallel>], iteration_bounds = array<i64: 2, 16>, scalar_prefetch = 0 : i64, scratch_operands = 5 : i64, tpu.core_type = #tpu.core_type<sc_vector_subcore>, window_params = [{transform_indices = #map}, {transform_indices = #map1}, {transform_indices = #map}]} {
    %mul3A = arith.constant 2 : i32
    %mul3A_0 = arith.muli %arg1, %mul3A : i32
    %add3A = arith.addi %mul3A_0, %arg0 : i32
    "tpu.region"() ({
      %run_scoped3A = tpu.sem_alloc : memref<!tpu.dma_semaphore, #tpu.memory_space<semaphore_mem>>
      %dma_start3A_22 = arith.constant 0 : i32
      %dma_start3A_23 = arith.constant 0 : i32
      %dma_start3A_24 = tpu.memref_slice %arg3[%add3A, %dma_start3A_22, %dma_start3A_23] : memref<32x25x128xi32, #tpu.memory_space<hbm>> -> memref<1x25x128xi32, #tpu.memory_space<hbm>>
      %dma_start3A_25 = tpu.memref_squeeze %dma_start3A_24 : memref<1x25x128xi32, #tpu.memory_space<hbm>> -> memref<25x128xi32, #tpu.memory_space<hbm>>
      %dma_start3A_26 = arith.constant 0 : i32
      %dma_start3A_27 = arith.constant 0 : i32
      %dma_start3A_28 = tpu.memref_slice %arg3[%add3A, %dma_start3A_26, %dma_start3A_27] : memref<32x25x128xi32, #tpu.memory_space<hbm>> -> memref<1x25x128xi32, #tpu.memory_space<hbm>>
      %dma_start3A_29 = tpu.memref_squeeze %dma_start3A_28 : memref<1x25x128xi32, #tpu.memory_space<hbm>> -> memref<25x128xi32, #tpu.memory_space<hbm>>
      tpu.enqueue_dma source(%dma_start3A_29 : memref<25x128xi32, #tpu.memory_space<hbm>>) target(%arg5 : memref<25x128xi32, #tpu.memory_space<vmem>>) target_semaphore(%run_scoped3A : memref<!tpu.dma_semaphore, #tpu.memory_space<semaphore_mem>>)
      %dma_wait3A_30 = arith.constant 0 : i32
      %dma_wait3A_31 = arith.constant 0 : i32
      %dma_wait3A_32 = tpu.memref_slice %arg3[%add3A, %dma_wait3A_30, %dma_wait3A_31] : memref<32x25x128xi32, #tpu.memory_space<hbm>> -> memref<1x25x128xi32, #tpu.memory_space<hbm>>
      %dma_wait3A_33 = tpu.memref_squeeze %dma_wait3A_32 : memref<1x25x128xi32, #tpu.memory_space<hbm>> -> memref<25x128xi32, #tpu.memory_space<hbm>>
      %dma_wait3A_34 = arith.constant 0 : i32
      %dma_wait3A_35 = arith.constant 0 : i32
      %dma_wait3A_36 = tpu.memref_slice %arg3[%add3A, %dma_wait3A_34, %dma_wait3A_35] : memref<32x25x128xi32, #tpu.memory_space<hbm>> -> memref<1x25x128xi32, #tpu.memory_space<hbm>>
      %dma_wait3A_37 = tpu.memref_squeeze %dma_wait3A_36 : memref<1x25x128xi32, #tpu.memory_space<hbm>> -> memref<25x128xi32, #tpu.memory_space<hbm>>
      tpu.wait_dma2 semaphore(%run_scoped3A : memref<!tpu.dma_semaphore, #tpu.memory_space<semaphore_mem>>) src(%dma_wait3A_37 : memref<25x128xi32, #tpu.memory_space<hbm>>) dst(%arg5 : memref<25x128xi32, #tpu.memory_space<vmem>>)
      tpu.yield
    }) : () -> ()
    %mul3A_1 = arith.constant 3200 : i32
    %mul3A_2 = arith.muli %add3A, %mul3A_1 : i32
    %dma_start3A = arith.constant 0 : i32
    %dma_start3A_3 = arith.constant 0 : i32
    %dma_start3A_4 = tpu.memref_slice %arg5[%dma_start3A, %dma_start3A_3] : memref<25x128xi32, #tpu.memory_space<vmem>> -> memref<1x128xi32, #tpu.memory_space<vmem>>
    %dma_start3A_5 = tpu.memref_squeeze %dma_start3A_4 : memref<1x128xi32, #tpu.memory_space<vmem>> -> memref<128xi32, #tpu.memory_space<vmem>>
    %dma_start3A_6 = arith.constant 0 : i32
    %dma_start3A_7 = arith.constant 0 : i32
    %dma_start3A_8 = tpu.memref_slice %arg2[%dma_start3A_6, %dma_start3A_7] : memref<100000x64xf32, #tpu.memory_space<hbm>> -> memref<100000x64xf32, #tpu.memory_space<hbm>>
    tpu.enqueue_indirect_dma source(%dma_start3A_8 : memref<100000x64xf32, #tpu.memory_space<hbm>>) target(%arg6 : memref<128x64xf32, #tpu.memory_space<vmem>>) offsets(%dma_start3A_5 : memref<128xi32, #tpu.memory_space<vmem>>) semaphore(%arg8 : memref<!tpu.dma_semaphore, #tpu.memory_space<semaphore_mem>>)
    %scan3A = arith.constant 0 : i32
    %scan3A_9 = arith.constant 0 : i32
    %scan3A_10 = arith.constant 12 : i32
    %scan3A_11 = arith.addi %scan3A_9, %scan3A_10 : i32
    %scan3A_12 = arith.constant 1 : i32
    scf.for %scan3A_22 = %scan3A_9 to %scan3A_11 step %scan3A_12  : i32 {
      %mul3A_23 = arith.constant 2 : i32
      %mul3A_24 = arith.muli %mul3A_23, %scan3A_22 : i32
      %add3A_25 = arith.constant 1 : i32
      %add3A_26 = arith.addi %mul3A_24, %add3A_25 : i32
      %dma_start3A_27 = arith.constant 0 : i32
      %dma_start3A_28 = tpu.memref_slice %arg5[%add3A_26, %dma_start3A_27] : memref<25x128xi32, #tpu.memory_space<vmem>> -> memref<1x128xi32, #tpu.memory_space<vmem>>
      %dma_start3A_29 = tpu.memref_squeeze %dma_start3A_28 : memref<1x128xi32, #tpu.memory_space<vmem>> -> memref<128xi32, #tpu.memory_space<vmem>>
      %dma_start3A_30 = arith.constant 0 : i32
      %dma_start3A_31 = arith.constant 0 : i32
      %dma_start3A_32 = tpu.memref_slice %arg2[%dma_start3A_30, %dma_start3A_31] : memref<100000x64xf32, #tpu.memory_space<hbm>> -> memref<100000x64xf32, #tpu.memory_space<hbm>>
      tpu.enqueue_indirect_dma source(%dma_start3A_32 : memref<100000x64xf32, #tpu.memory_space<hbm>>) target(%arg7 : memref<128x64xf32, #tpu.memory_space<vmem>>) offsets(%dma_start3A_29 : memref<128xi32, #tpu.memory_space<vmem>>) semaphore(%arg9 : memref<!tpu.dma_semaphore, #tpu.memory_space<semaphore_mem>>)
      %dma_wait3A_33 = arith.constant 0 : i32
      %dma_wait3A_34 = tpu.memref_slice %arg5[%mul3A_24, %dma_wait3A_33] : memref<25x128xi32, #tpu.memory_space<vmem>> -> memref<1x128xi32, #tpu.memory_space<vmem>>
      %dma_wait3A_35 = tpu.memref_squeeze %dma_wait3A_34 : memref<1x128xi32, #tpu.memory_space<vmem>> -> memref<128xi32, #tpu.memory_space<vmem>>
      %dma_wait3A_36 = arith.constant 0 : i32
      %dma_wait3A_37 = arith.constant 0 : i32
      %dma_wait3A_38 = tpu.memref_slice %arg2[%dma_wait3A_36, %dma_wait3A_37] : memref<100000x64xf32, #tpu.memory_space<hbm>> -> memref<100000x64xf32, #tpu.memory_space<hbm>>
      tpu.wait_indirect_dma semaphore(%arg8 : memref<!tpu.dma_semaphore, #tpu.memory_space<semaphore_mem>>) src(%dma_wait3A_38 : memref<100000x64xf32, #tpu.memory_space<hbm>>) dst(%arg6 : memref<128x64xf32, #tpu.memory_space<vmem>>)
      %mul3A_39 = arith.constant 128 : i32
      %mul3A_40 = arith.muli %mul3A_24, %mul3A_39 : i32
      %add3A_41 = arith.addi %mul3A_2, %mul3A_40 : i32
      "tpu.region"() ({
        %run_scoped3A = tpu.sem_alloc : memref<!tpu.dma_semaphore, #tpu.memory_space<semaphore_mem>>
        %dma_start3A_59 = arith.constant 0 : i32
        %dma_start3A_60 = tpu.memref_slice %arg4[%add3A_41, %dma_start3A_59] : memref<102400x64xf32, #tpu.memory_space<hbm>> -> memref<128x64xf32, #tpu.memory_space<hbm>>
        %dma_start3A_61 = arith.constant 0 : i32
        %dma_start3A_62 = tpu.memref_slice %arg4[%add3A_41, %dma_start3A_61] : memref<102400x64xf32, #tpu.memory_space<hbm>> -> memref<128x64xf32, #tpu.memory_space<hbm>>
        tpu.enqueue_dma source(%arg6 : memref<128x64xf32, #tpu.memory_space<vmem>>) target(%dma_start3A_62 : memref<128x64xf32, #tpu.memory_space<hbm>>) target_semaphore(%run_scoped3A : memref<!tpu.dma_semaphore, #tpu.memory_space<semaphore_mem>>)
        %dma_wait3A_63 = arith.constant 0 : i32
        %dma_wait3A_64 = tpu.memref_slice %arg4[%add3A_41, %dma_wait3A_63] : memref<102400x64xf32, #tpu.memory_space<hbm>> -> memref<128x64xf32, #tpu.memory_space<hbm>>
        %dma_wait3A_65 = arith.constant 0 : i32
        %dma_wait3A_66 = tpu.memref_slice %arg4[%add3A_41, %dma_wait3A_65] : memref<102400x64xf32, #tpu.memory_space<hbm>> -> memref<128x64xf32, #tpu.memory_space<hbm>>
        tpu.wait_dma2 semaphore(%run_scoped3A : memref<!tpu.dma_semaphore, #tpu.memory_space<semaphore_mem>>) src(%arg6 : memref<128x64xf32, #tpu.memory_space<vmem>>) dst(%dma_wait3A_66 : memref<128x64xf32, #tpu.memory_space<hbm>>)
        tpu.yield
      }) : () -> ()
      %add3A_42 = arith.constant 2 : i32
      %add3A_43 = arith.addi %mul3A_24, %add3A_42 : i32
      %lt3A = arith.constant 25 : i32
      %lt3A_44 = arith.cmpi slt, %add3A_43, %lt3A : i32
      %convert_element_type3A = arith.extui %lt3A_44 : i1 to i32
      %cond3A = arith.constant 0 : i32
      %cond3A_45 = arith.cmpi ne, %convert_element_type3A, %cond3A : i32
      scf.if %cond3A_45 {
        %add3A_59 = arith.constant 2 : i32
        %add3A_60 = arith.addi %mul3A_24, %add3A_59 : i32
        %dma_start3A_61 = arith.constant 0 : i32
        %dma_start3A_62 = tpu.memref_slice %arg5[%add3A_60, %dma_start3A_61] : memref<25x128xi32, #tpu.memory_space<vmem>> -> memref<1x128xi32, #tpu.memory_space<vmem>>
        %dma_start3A_63 = tpu.memref_squeeze %dma_start3A_62 : memref<1x128xi32, #tpu.memory_space<vmem>> -> memref<128xi32, #tpu.memory_space<vmem>>
        %dma_start3A_64 = arith.constant 0 : i32
        %dma_start3A_65 = arith.constant 0 : i32
        %dma_start3A_66 = tpu.memref_slice %arg2[%dma_start3A_64, %dma_start3A_65] : memref<100000x64xf32, #tpu.memory_space<hbm>> -> memref<100000x64xf32, #tpu.memory_space<hbm>>
        tpu.enqueue_indirect_dma source(%dma_start3A_66 : memref<100000x64xf32, #tpu.memory_space<hbm>>) target(%arg6 : memref<128x64xf32, #tpu.memory_space<vmem>>) offsets(%dma_start3A_63 : memref<128xi32, #tpu.memory_space<vmem>>) semaphore(%arg8 : memref<!tpu.dma_semaphore, #tpu.memory_space<semaphore_mem>>)
      } else {
      }
      %add3A_46 = arith.constant 1 : i32
      %add3A_47 = arith.addi %mul3A_24, %add3A_46 : i32
      %dma_wait3A_48 = arith.constant 0 : i32
      %dma_wait3A_49 = tpu.memref_slice %arg5[%add3A_47, %dma_wait3A_48] : memref<25x128xi32, #tpu.memory_space<vmem>> -> memref<1x128xi32, #tpu.memory_space<vmem>>
      %dma_wait3A_50 = tpu.memref_squeeze %dma_wait3A_49 : memref<1x128xi32, #tpu.memory_space<vmem>> -> memref<128xi32, #tpu.memory_space<vmem>>
      %dma_wait3A_51 = arith.constant 0 : i32
      %dma_wait3A_52 = arith.constant 0 : i32
      %dma_wait3A_53 = tpu.memref_slice %arg2[%dma_wait3A_51, %dma_wait3A_52] : memref<100000x64xf32, #tpu.memory_space<hbm>> -> memref<100000x64xf32, #tpu.memory_space<hbm>>
      tpu.wait_indirect_dma semaphore(%arg9 : memref<!tpu.dma_semaphore, #tpu.memory_space<semaphore_mem>>) src(%dma_wait3A_53 : memref<100000x64xf32, #tpu.memory_space<hbm>>) dst(%arg7 : memref<128x64xf32, #tpu.memory_space<vmem>>)
      %add3A_54 = arith.constant 1 : i32
      %add3A_55 = arith.addi %mul3A_24, %add3A_54 : i32
      %mul3A_56 = arith.constant 128 : i32
      %mul3A_57 = arith.muli %add3A_55, %mul3A_56 : i32
      %add3A_58 = arith.addi %mul3A_2, %mul3A_57 : i32
      "tpu.region"() ({
        %run_scoped3A = tpu.sem_alloc : memref<!tpu.dma_semaphore, #tpu.memory_space<semaphore_mem>>
        %dma_start3A_59 = arith.constant 0 : i32
        %dma_start3A_60 = tpu.memref_slice %arg4[%add3A_58, %dma_start3A_59] : memref<102400x64xf32, #tpu.memory_space<hbm>> -> memref<128x64xf32, #tpu.memory_space<hbm>>
        %dma_start3A_61 = arith.constant 0 : i32
        %dma_start3A_62 = tpu.memref_slice %arg4[%add3A_58, %dma_start3A_61] : memref<102400x64xf32, #tpu.memory_space<hbm>> -> memref<128x64xf32, #tpu.memory_space<hbm>>
        tpu.enqueue_dma source(%arg7 : memref<128x64xf32, #tpu.memory_space<vmem>>) target(%dma_start3A_62 : memref<128x64xf32, #tpu.memory_space<hbm>>) target_semaphore(%run_scoped3A : memref<!tpu.dma_semaphore, #tpu.memory_space<semaphore_mem>>)
        %dma_wait3A_63 = arith.constant 0 : i32
        %dma_wait3A_64 = tpu.memref_slice %arg4[%add3A_58, %dma_wait3A_63] : memref<102400x64xf32, #tpu.memory_space<hbm>> -> memref<128x64xf32, #tpu.memory_space<hbm>>
        %dma_wait3A_65 = arith.constant 0 : i32
        %dma_wait3A_66 = tpu.memref_slice %arg4[%add3A_58, %dma_wait3A_65] : memref<102400x64xf32, #tpu.memory_space<hbm>> -> memref<128x64xf32, #tpu.memory_space<hbm>>
        tpu.wait_dma2 semaphore(%run_scoped3A : memref<!tpu.dma_semaphore, #tpu.memory_space<semaphore_mem>>) src(%arg7 : memref<128x64xf32, #tpu.memory_space<vmem>>) dst(%dma_wait3A_66 : memref<128x64xf32, #tpu.memory_space<hbm>>)
        tpu.yield
      }) : () -> ()
    }
    %scan3A_13 = arith.constant 12 : i32
    %dma_wait3A = arith.constant 24 : i32
    %dma_wait3A_14 = arith.constant 0 : i32
    %dma_wait3A_15 = tpu.memref_slice %arg5[%dma_wait3A, %dma_wait3A_14] : memref<25x128xi32, #tpu.memory_space<vmem>> -> memref<1x128xi32, #tpu.memory_space<vmem>>
    %dma_wait3A_16 = tpu.memref_squeeze %dma_wait3A_15 : memref<1x128xi32, #tpu.memory_space<vmem>> -> memref<128xi32, #tpu.memory_space<vmem>>
    %dma_wait3A_17 = arith.constant 0 : i32
    %dma_wait3A_18 = arith.constant 0 : i32
    %dma_wait3A_19 = tpu.memref_slice %arg2[%dma_wait3A_17, %dma_wait3A_18] : memref<100000x64xf32, #tpu.memory_space<hbm>> -> memref<100000x64xf32, #tpu.memory_space<hbm>>
    tpu.wait_indirect_dma semaphore(%arg8 : memref<!tpu.dma_semaphore, #tpu.memory_space<semaphore_mem>>) src(%dma_wait3A_19 : memref<100000x64xf32, #tpu.memory_space<hbm>>) dst(%arg6 : memref<128x64xf32, #tpu.memory_space<vmem>>)
    %add3A_20 = arith.constant 3072 : i32
    %add3A_21 = arith.addi %mul3A_2, %add3A_20 : i32
    "tpu.region"() ({
      %run_scoped3A = tpu.sem_alloc : memref<!tpu.dma_semaphore, #tpu.memory_space<semaphore_mem>>
      %dma_start3A_22 = arith.constant 0 : i32
      %dma_start3A_23 = tpu.memref_slice %arg4[%add3A_21, %dma_start3A_22] : memref<102400x64xf32, #tpu.memory_space<hbm>> -> memref<128x64xf32, #tpu.memory_space<hbm>>
      %dma_start3A_24 = arith.constant 0 : i32
      %dma_start3A_25 = tpu.memref_slice %arg4[%add3A_21, %dma_start3A_24] : memref<102400x64xf32, #tpu.memory_space<hbm>> -> memref<128x64xf32, #tpu.memory_space<hbm>>
      tpu.enqueue_dma source(%arg6 : memref<128x64xf32, #tpu.memory_space<vmem>>) target(%dma_start3A_25 : memref<128x64xf32, #tpu.memory_space<hbm>>) target_semaphore(%run_scoped3A : memref<!tpu.dma_semaphore, #tpu.memory_space<semaphore_mem>>)
      %dma_wait3A_26 = arith.constant 0 : i32
      %dma_wait3A_27 = tpu.memref_slice %arg4[%add3A_21, %dma_wait3A_26] : memref<102400x64xf32, #tpu.memory_space<hbm>> -> memref<128x64xf32, #tpu.memory_space<hbm>>
      %dma_wait3A_28 = arith.constant 0 : i32
      %dma_wait3A_29 = tpu.memref_slice %arg4[%add3A_21, %dma_wait3A_28] : memref<102400x64xf32, #tpu.memory_space<hbm>> -> memref<128x64xf32, #tpu.memory_space<hbm>>
      tpu.wait_dma2 semaphore(%run_scoped3A : memref<!tpu.dma_semaphore, #tpu.memory_space<semaphore_mem>>) src(%arg6 : memref<128x64xf32, #tpu.memory_space<vmem>>) dst(%dma_wait3A_29 : memref<128x64xf32, #tpu.memory_space<hbm>>)
      tpu.yield
    }) : () -> ()
    return
  }
}

#map = affine_map<(d0, d1) -> (0, 0)>
module attributes {stable_mosaic.version = 14 : i64} {
  func.func @k(%arg0: i32, %arg1: i32, %arg2: memref<100000x64xf32, #tpu.memory_space<hbm>>, %arg3: memref<32x64xi32, #tpu.memory_space<hbm>>, %arg4: memref<2048x64xf32, #tpu.memory_space<hbm>>, %arg5: memref<64xi32, #tpu.memory_space<vmem>>, %arg6: memref<64x64xf32, #tpu.memory_space<vmem>>, %arg7: memref<!tpu.dma_semaphore, #tpu.memory_space<semaphore_mem>>) attributes {dimension_semantics = [#tpu.dimension_semantics<core_parallel>, #tpu.dimension_semantics<subcore_parallel>], iteration_bounds = array<i64: 2, 16>, scalar_prefetch = 0 : i64, scratch_operands = 3 : i64, tpu.core_type = #tpu.core_type<sc_vector_subcore>, window_params = [{transform_indices = #map}, {transform_indices = #map}, {transform_indices = #map}]} {
    %mul3A = arith.constant 2 : i32
    %mul3A_0 = arith.muli %arg1, %mul3A : i32
    %add3A = arith.addi %mul3A_0, %arg0 : i32
    "tpu.region"() ({
      %run_scoped3A = tpu.sem_alloc : memref<!tpu.dma_semaphore, #tpu.memory_space<semaphore_mem>>
      %dma_start3A_7 = arith.constant 0 : i32
      %dma_start3A_8 = tpu.memref_slice %arg3[%add3A, %dma_start3A_7] : memref<32x64xi32, #tpu.memory_space<hbm>> -> memref<1x64xi32, #tpu.memory_space<hbm>>
      %dma_start3A_9 = tpu.memref_squeeze %dma_start3A_8 : memref<1x64xi32, #tpu.memory_space<hbm>> -> memref<64xi32, #tpu.memory_space<hbm>>
      %dma_start3A_10 = arith.constant 0 : i32
      %dma_start3A_11 = tpu.memref_slice %arg3[%add3A, %dma_start3A_10] : memref<32x64xi32, #tpu.memory_space<hbm>> -> memref<1x64xi32, #tpu.memory_space<hbm>>
      %dma_start3A_12 = tpu.memref_squeeze %dma_start3A_11 : memref<1x64xi32, #tpu.memory_space<hbm>> -> memref<64xi32, #tpu.memory_space<hbm>>
      tpu.enqueue_dma source(%dma_start3A_12 : memref<64xi32, #tpu.memory_space<hbm>>) target(%arg5 : memref<64xi32, #tpu.memory_space<vmem>>) target_semaphore(%run_scoped3A : memref<!tpu.dma_semaphore, #tpu.memory_space<semaphore_mem>>)
      %dma_wait3A_13 = arith.constant 0 : i32
      %dma_wait3A_14 = tpu.memref_slice %arg3[%add3A, %dma_wait3A_13] : memref<32x64xi32, #tpu.memory_space<hbm>> -> memref<1x64xi32, #tpu.memory_space<hbm>>
      %dma_wait3A_15 = tpu.memref_squeeze %dma_wait3A_14 : memref<1x64xi32, #tpu.memory_space<hbm>> -> memref<64xi32, #tpu.memory_space<hbm>>
      %dma_wait3A_16 = arith.constant 0 : i32
      %dma_wait3A_17 = tpu.memref_slice %arg3[%add3A, %dma_wait3A_16] : memref<32x64xi32, #tpu.memory_space<hbm>> -> memref<1x64xi32, #tpu.memory_space<hbm>>
      %dma_wait3A_18 = tpu.memref_squeeze %dma_wait3A_17 : memref<1x64xi32, #tpu.memory_space<hbm>> -> memref<64xi32, #tpu.memory_space<hbm>>
      tpu.wait_dma2 semaphore(%run_scoped3A : memref<!tpu.dma_semaphore, #tpu.memory_space<semaphore_mem>>) src(%dma_wait3A_18 : memref<64xi32, #tpu.memory_space<hbm>>) dst(%arg5 : memref<64xi32, #tpu.memory_space<vmem>>)
      tpu.yield
    }) : () -> ()
    %dma_start3A = arith.constant 0 : i32
    %dma_start3A_1 = arith.constant 0 : i32
    %dma_start3A_2 = tpu.memref_slice %arg2[%dma_start3A, %dma_start3A_1] : memref<100000x64xf32, #tpu.memory_space<hbm>> -> memref<100000x64xf32, #tpu.memory_space<hbm>>
    tpu.enqueue_indirect_dma source(%dma_start3A_2 : memref<100000x64xf32, #tpu.memory_space<hbm>>) target(%arg6 : memref<64x64xf32, #tpu.memory_space<vmem>>) offsets(%arg5 : memref<64xi32, #tpu.memory_space<vmem>>) semaphore(%arg7 : memref<!tpu.dma_semaphore, #tpu.memory_space<semaphore_mem>>)
    %dma_wait3A = arith.constant 0 : i32
    %dma_wait3A_3 = arith.constant 0 : i32
    %dma_wait3A_4 = tpu.memref_slice %arg2[%dma_wait3A, %dma_wait3A_3] : memref<100000x64xf32, #tpu.memory_space<hbm>> -> memref<100000x64xf32, #tpu.memory_space<hbm>>
    tpu.wait_indirect_dma semaphore(%arg7 : memref<!tpu.dma_semaphore, #tpu.memory_space<semaphore_mem>>) src(%dma_wait3A_4 : memref<100000x64xf32, #tpu.memory_space<hbm>>) dst(%arg6 : memref<64x64xf32, #tpu.memory_space<vmem>>)
    %mul3A_5 = arith.constant 64 : i32
    %mul3A_6 = arith.muli %add3A, %mul3A_5 : i32
    "tpu.region"() ({
      %run_scoped3A = tpu.sem_alloc : memref<!tpu.dma_semaphore, #tpu.memory_space<semaphore_mem>>
      %dma_start3A_7 = arith.constant 0 : i32
      %dma_start3A_8 = tpu.memref_slice %arg4[%mul3A_6, %dma_start3A_7] : memref<2048x64xf32, #tpu.memory_space<hbm>> -> memref<64x64xf32, #tpu.memory_space<hbm>>
      %dma_start3A_9 = arith.constant 0 : i32
      %dma_start3A_10 = tpu.memref_slice %arg4[%mul3A_6, %dma_start3A_9] : memref<2048x64xf32, #tpu.memory_space<hbm>> -> memref<64x64xf32, #tpu.memory_space<hbm>>
      tpu.enqueue_dma source(%arg6 : memref<64x64xf32, #tpu.memory_space<vmem>>) target(%dma_start3A_10 : memref<64x64xf32, #tpu.memory_space<hbm>>) target_semaphore(%run_scoped3A : memref<!tpu.dma_semaphore, #tpu.memory_space<semaphore_mem>>)
      %dma_wait3A_11 = arith.constant 0 : i32
      %dma_wait3A_12 = tpu.memref_slice %arg4[%mul3A_6, %dma_wait3A_11] : memref<2048x64xf32, #tpu.memory_space<hbm>> -> memref<64x64xf32, #tpu.memory_space<hbm>>
      %dma_wait3A_13 = arith.constant 0 : i32
      %dma_wait3A_14 = tpu.memref_slice %arg4[%mul3A_6, %dma_wait3A_13] : memref<2048x64xf32, #tpu.memory_space<hbm>> -> memref<64x64xf32, #tpu.memory_space<hbm>>
      tpu.wait_dma2 semaphore(%run_scoped3A : memref<!tpu.dma_semaphore, #tpu.memory_space<semaphore_mem>>) src(%arg6 : memref<64x64xf32, #tpu.memory_space<vmem>>) dst(%dma_wait3A_14 : memref<64x64xf32, #tpu.memory_space<hbm>>)
      tpu.yield
    }) : () -> ()
    return
  }
}

#map = affine_map<(d0, d1) -> (0, 0)>
#map1 = affine_map<(d0, d1) -> (0, 0, 0)>
module attributes {stable_mosaic.version = 14 : i64} {
  func.func @k(%arg0: i32, %arg1: i32, %arg2: memref<100000x64xf32, #tpu.memory_space<hbm>>, %arg3: memref<32x25x128xi32, #tpu.memory_space<hbm>>, %arg4: memref<102400x64xf32, #tpu.memory_space<hbm>>, %arg5: memref<25x128xi32, #tpu.memory_space<vmem>>, %arg6: memref<128x64xf32, #tpu.memory_space<vmem>>, %arg7: memref<128x64xf32, #tpu.memory_space<vmem>>, %arg8: memref<!tpu.dma_semaphore, #tpu.memory_space<semaphore_mem>>, %arg9: memref<!tpu.dma_semaphore, #tpu.memory_space<semaphore_mem>>) attributes {dimension_semantics = [#tpu.dimension_semantics<core_parallel>, #tpu.dimension_semantics<subcore_parallel>], iteration_bounds = array<i64: 2, 16>, scalar_prefetch = 0 : i64, scratch_operands = 5 : i64, tpu.core_type = #tpu.core_type<sc_vector_subcore>, window_params = [{transform_indices = #map}, {transform_indices = #map1}, {transform_indices = #map}]} {
    %mul3A = arith.constant 2 : i32
    %mul3A_0 = arith.muli %arg1, %mul3A : i32
    %add3A = arith.addi %mul3A_0, %arg0 : i32
    "tpu.region"() ({
      %run_scoped3A = tpu.sem_alloc : memref<!tpu.dma_semaphore, #tpu.memory_space<semaphore_mem>>
      %dma_start3A_22 = arith.constant 0 : i32
      %dma_start3A_23 = arith.constant 0 : i32
      %dma_start3A_24 = tpu.memref_slice %arg3[%add3A, %dma_start3A_22, %dma_start3A_23] : memref<32x25x128xi32, #tpu.memory_space<hbm>> -> memref<1x25x128xi32, #tpu.memory_space<hbm>>
      %dma_start3A_25 = tpu.memref_squeeze %dma_start3A_24 : memref<1x25x128xi32, #tpu.memory_space<hbm>> -> memref<25x128xi32, #tpu.memory_space<hbm>>
      %dma_start3A_26 = arith.constant 0 : i32
      %dma_start3A_27 = arith.constant 0 : i32
      %dma_start3A_28 = tpu.memref_slice %arg3[%add3A, %dma_start3A_26, %dma_start3A_27] : memref<32x25x128xi32, #tpu.memory_space<hbm>> -> memref<1x25x128xi32, #tpu.memory_space<hbm>>
      %dma_start3A_29 = tpu.memref_squeeze %dma_start3A_28 : memref<1x25x128xi32, #tpu.memory_space<hbm>> -> memref<25x128xi32, #tpu.memory_space<hbm>>
      tpu.enqueue_dma source(%dma_start3A_29 : memref<25x128xi32, #tpu.memory_space<hbm>>) target(%arg5 : memref<25x128xi32, #tpu.memory_space<vmem>>) target_semaphore(%run_scoped3A : memref<!tpu.dma_semaphore, #tpu.memory_space<semaphore_mem>>)
      %dma_wait3A_30 = arith.constant 0 : i32
      %dma_wait3A_31 = arith.constant 0 : i32
      %dma_wait3A_32 = tpu.memref_slice %arg3[%add3A, %dma_wait3A_30, %dma_wait3A_31] : memref<32x25x128xi32, #tpu.memory_space<hbm>> -> memref<1x25x128xi32, #tpu.memory_space<hbm>>
      %dma_wait3A_33 = tpu.memref_squeeze %dma_wait3A_32 : memref<1x25x128xi32, #tpu.memory_space<hbm>> -> memref<25x128xi32, #tpu.memory_space<hbm>>
      %dma_wait3A_34 = arith.constant 0 : i32
      %dma_wait3A_35 = arith.constant 0 : i32
      %dma_wait3A_36 = tpu.memref_slice %arg3[%add3A, %dma_wait3A_34, %dma_wait3A_35] : memref<32x25x128xi32, #tpu.memory_space<hbm>> -> memref<1x25x128xi32, #tpu.memory_space<hbm>>
      %dma_wait3A_37 = tpu.memref_squeeze %dma_wait3A_36 : memref<1x25x128xi32, #tpu.memory_space<hbm>> -> memref<25x128xi32, #tpu.memory_space<hbm>>
      tpu.wait_dma2 semaphore(%run_scoped3A : memref<!tpu.dma_semaphore, #tpu.memory_space<semaphore_mem>>) src(%dma_wait3A_37 : memref<25x128xi32, #tpu.memory_space<hbm>>) dst(%arg5 : memref<25x128xi32, #tpu.memory_space<vmem>>)
      tpu.yield
    }) : () -> ()
    %mul3A_1 = arith.constant 3200 : i32
    %mul3A_2 = arith.muli %add3A, %mul3A_1 : i32
    %dma_start3A = arith.constant 0 : i32
    %dma_start3A_3 = arith.constant 0 : i32
    %dma_start3A_4 = tpu.memref_slice %arg5[%dma_start3A, %dma_start3A_3] : memref<25x128xi32, #tpu.memory_space<vmem>> -> memref<1x128xi32, #tpu.memory_space<vmem>>
    %dma_start3A_5 = tpu.memref_squeeze %dma_start3A_4 : memref<1x128xi32, #tpu.memory_space<vmem>> -> memref<128xi32, #tpu.memory_space<vmem>>
    %dma_start3A_6 = arith.constant 0 : i32
    %dma_start3A_7 = arith.constant 0 : i32
    %dma_start3A_8 = tpu.memref_slice %arg2[%dma_start3A_6, %dma_start3A_7] : memref<100000x64xf32, #tpu.memory_space<hbm>> -> memref<100000x64xf32, #tpu.memory_space<hbm>>
    tpu.enqueue_indirect_dma source(%dma_start3A_8 : memref<100000x64xf32, #tpu.memory_space<hbm>>) target(%arg6 : memref<128x64xf32, #tpu.memory_space<vmem>>) offsets(%dma_start3A_5 : memref<128xi32, #tpu.memory_space<vmem>>) semaphore(%arg8 : memref<!tpu.dma_semaphore, #tpu.memory_space<semaphore_mem>>)
    %scan3A = arith.constant 0 : i32
    %scan3A_9 = arith.constant 0 : i32
    %scan3A_10 = arith.constant 12 : i32
    %scan3A_11 = arith.addi %scan3A_9, %scan3A_10 : i32
    %scan3A_12 = arith.constant 1 : i32
    scf.for %scan3A_22 = %scan3A_9 to %scan3A_11 step %scan3A_12  : i32 {
      %mul3A_23 = arith.constant 2 : i32
      %mul3A_24 = arith.muli %mul3A_23, %scan3A_22 : i32
      %add3A_25 = arith.constant 1 : i32
      %add3A_26 = arith.addi %mul3A_24, %add3A_25 : i32
      %dma_start3A_27 = arith.constant 0 : i32
      %dma_start3A_28 = tpu.memref_slice %arg5[%add3A_26, %dma_start3A_27] : memref<25x128xi32, #tpu.memory_space<vmem>> -> memref<1x128xi32, #tpu.memory_space<vmem>>
      %dma_start3A_29 = tpu.memref_squeeze %dma_start3A_28 : memref<1x128xi32, #tpu.memory_space<vmem>> -> memref<128xi32, #tpu.memory_space<vmem>>
      %dma_start3A_30 = arith.constant 0 : i32
      %dma_start3A_31 = arith.constant 0 : i32
      %dma_start3A_32 = tpu.memref_slice %arg2[%dma_start3A_30, %dma_start3A_31] : memref<100000x64xf32, #tpu.memory_space<hbm>> -> memref<100000x64xf32, #tpu.memory_space<hbm>>
      tpu.enqueue_indirect_dma source(%dma_start3A_32 : memref<100000x64xf32, #tpu.memory_space<hbm>>) target(%arg7 : memref<128x64xf32, #tpu.memory_space<vmem>>) offsets(%dma_start3A_29 : memref<128xi32, #tpu.memory_space<vmem>>) semaphore(%arg9 : memref<!tpu.dma_semaphore, #tpu.memory_space<semaphore_mem>>)
      %dma_wait3A_33 = arith.constant 0 : i32
      %dma_wait3A_34 = tpu.memref_slice %arg5[%mul3A_24, %dma_wait3A_33] : memref<25x128xi32, #tpu.memory_space<vmem>> -> memref<1x128xi32, #tpu.memory_space<vmem>>
      %dma_wait3A_35 = tpu.memref_squeeze %dma_wait3A_34 : memref<1x128xi32, #tpu.memory_space<vmem>> -> memref<128xi32, #tpu.memory_space<vmem>>
      %dma_wait3A_36 = arith.constant 0 : i32
      %dma_wait3A_37 = arith.constant 0 : i32
      %dma_wait3A_38 = tpu.memref_slice %arg2[%dma_wait3A_36, %dma_wait3A_37] : memref<100000x64xf32, #tpu.memory_space<hbm>> -> memref<100000x64xf32, #tpu.memory_space<hbm>>
      tpu.wait_indirect_dma semaphore(%arg8 : memref<!tpu.dma_semaphore, #tpu.memory_space<semaphore_mem>>) src(%dma_wait3A_38 : memref<100000x64xf32, #tpu.memory_space<hbm>>) dst(%arg6 : memref<128x64xf32, #tpu.memory_space<vmem>>)
      %mul3A_39 = arith.constant 128 : i32
      %mul3A_40 = arith.muli %mul3A_24, %mul3A_39 : i32
      %add3A_41 = arith.addi %mul3A_2, %mul3A_40 : i32
      "tpu.region"() ({
        %run_scoped3A = tpu.sem_alloc : memref<!tpu.dma_semaphore, #tpu.memory_space<semaphore_mem>>
        %dma_start3A_59 = arith.constant 0 : i32
        %dma_start3A_60 = tpu.memref_slice %arg4[%add3A_41, %dma_start3A_59] : memref<102400x64xf32, #tpu.memory_space<hbm>> -> memref<128x64xf32, #tpu.memory_space<hbm>>
        %dma_start3A_61 = arith.constant 0 : i32
        %dma_start3A_62 = tpu.memref_slice %arg4[%add3A_41, %dma_start3A_61] : memref<102400x64xf32, #tpu.memory_space<hbm>> -> memref<128x64xf32, #tpu.memory_space<hbm>>
        tpu.enqueue_dma source(%arg6 : memref<128x64xf32, #tpu.memory_space<vmem>>) target(%dma_start3A_62 : memref<128x64xf32, #tpu.memory_space<hbm>>) target_semaphore(%run_scoped3A : memref<!tpu.dma_semaphore, #tpu.memory_space<semaphore_mem>>)
        %dma_wait3A_63 = arith.constant 0 : i32
        %dma_wait3A_64 = tpu.memref_slice %arg4[%add3A_41, %dma_wait3A_63] : memref<102400x64xf32, #tpu.memory_space<hbm>> -> memref<128x64xf32, #tpu.memory_space<hbm>>
        %dma_wait3A_65 = arith.constant 0 : i32
        %dma_wait3A_66 = tpu.memref_slice %arg4[%add3A_41, %dma_wait3A_65] : memref<102400x64xf32, #tpu.memory_space<hbm>> -> memref<128x64xf32, #tpu.memory_space<hbm>>
        tpu.wait_dma2 semaphore(%run_scoped3A : memref<!tpu.dma_semaphore, #tpu.memory_space<semaphore_mem>>) src(%arg6 : memref<128x64xf32, #tpu.memory_space<vmem>>) dst(%dma_wait3A_66 : memref<128x64xf32, #tpu.memory_space<hbm>>)
        tpu.yield
      }) : () -> ()
      %add3A_42 = arith.constant 2 : i32
      %add3A_43 = arith.addi %mul3A_24, %add3A_42 : i32
      %lt3A = arith.constant 25 : i32
      %lt3A_44 = arith.cmpi slt, %add3A_43, %lt3A : i32
      %convert_element_type3A = arith.extui %lt3A_44 : i1 to i32
      %cond3A = arith.constant 0 : i32
      %cond3A_45 = arith.cmpi ne, %convert_element_type3A, %cond3A : i32
      scf.if %cond3A_45 {
        %add3A_59 = arith.constant 2 : i32
        %add3A_60 = arith.addi %mul3A_24, %add3A_59 : i32
        %dma_start3A_61 = arith.constant 0 : i32
        %dma_start3A_62 = tpu.memref_slice %arg5[%add3A_60, %dma_start3A_61] : memref<25x128xi32, #tpu.memory_space<vmem>> -> memref<1x128xi32, #tpu.memory_space<vmem>>
        %dma_start3A_63 = tpu.memref_squeeze %dma_start3A_62 : memref<1x128xi32, #tpu.memory_space<vmem>> -> memref<128xi32, #tpu.memory_space<vmem>>
        %dma_start3A_64 = arith.constant 0 : i32
        %dma_start3A_65 = arith.constant 0 : i32
        %dma_start3A_66 = tpu.memref_slice %arg2[%dma_start3A_64, %dma_start3A_65] : memref<100000x64xf32, #tpu.memory_space<hbm>> -> memref<100000x64xf32, #tpu.memory_space<hbm>>
        tpu.enqueue_indirect_dma source(%dma_start3A_66 : memref<100000x64xf32, #tpu.memory_space<hbm>>) target(%arg6 : memref<128x64xf32, #tpu.memory_space<vmem>>) offsets(%dma_start3A_63 : memref<128xi32, #tpu.memory_space<vmem>>) semaphore(%arg8 : memref<!tpu.dma_semaphore, #tpu.memory_space<semaphore_mem>>)
      } else {
      }
      %add3A_46 = arith.constant 1 : i32
      %add3A_47 = arith.addi %mul3A_24, %add3A_46 : i32
      %dma_wait3A_48 = arith.constant 0 : i32
      %dma_wait3A_49 = tpu.memref_slice %arg5[%add3A_47, %dma_wait3A_48] : memref<25x128xi32, #tpu.memory_space<vmem>> -> memref<1x128xi32, #tpu.memory_space<vmem>>
      %dma_wait3A_50 = tpu.memref_squeeze %dma_wait3A_49 : memref<1x128xi32, #tpu.memory_space<vmem>> -> memref<128xi32, #tpu.memory_space<vmem>>
      %dma_wait3A_51 = arith.constant 0 : i32
      %dma_wait3A_52 = arith.constant 0 : i32
      %dma_wait3A_53 = tpu.memref_slice %arg2[%dma_wait3A_51, %dma_wait3A_52] : memref<100000x64xf32, #tpu.memory_space<hbm>> -> memref<100000x64xf32, #tpu.memory_space<hbm>>
      tpu.wait_indirect_dma semaphore(%arg9 : memref<!tpu.dma_semaphore, #tpu.memory_space<semaphore_mem>>) src(%dma_wait3A_53 : memref<100000x64xf32, #tpu.memory_space<hbm>>) dst(%arg7 : memref<128x64xf32, #tpu.memory_space<vmem>>)
      %add3A_54 = arith.constant 1 : i32
      %add3A_55 = arith.addi %mul3A_24, %add3A_54 : i32
      %mul3A_56 = arith.constant 128 : i32
      %mul3A_57 = arith.muli %add3A_55, %mul3A_56 : i32
      %add3A_58 = arith.addi %mul3A_2, %mul3A_57 : i32
      "tpu.region"() ({
        %run_scoped3A = tpu.sem_alloc : memref<!tpu.dma_semaphore, #tpu.memory_space<semaphore_mem>>
        %dma_start3A_59 = arith.constant 0 : i32
        %dma_start3A_60 = tpu.memref_slice %arg4[%add3A_58, %dma_start3A_59] : memref<102400x64xf32, #tpu.memory_space<hbm>> -> memref<128x64xf32, #tpu.memory_space<hbm>>
        %dma_start3A_61 = arith.constant 0 : i32
        %dma_start3A_62 = tpu.memref_slice %arg4[%add3A_58, %dma_start3A_61] : memref<102400x64xf32, #tpu.memory_space<hbm>> -> memref<128x64xf32, #tpu.memory_space<hbm>>
        tpu.enqueue_dma source(%arg7 : memref<128x64xf32, #tpu.memory_space<vmem>>) target(%dma_start3A_62 : memref<128x64xf32, #tpu.memory_space<hbm>>) target_semaphore(%run_scoped3A : memref<!tpu.dma_semaphore, #tpu.memory_space<semaphore_mem>>)
        %dma_wait3A_63 = arith.constant 0 : i32
        %dma_wait3A_64 = tpu.memref_slice %arg4[%add3A_58, %dma_wait3A_63] : memref<102400x64xf32, #tpu.memory_space<hbm>> -> memref<128x64xf32, #tpu.memory_space<hbm>>
        %dma_wait3A_65 = arith.constant 0 : i32
        %dma_wait3A_66 = tpu.memref_slice %arg4[%add3A_58, %dma_wait3A_65] : memref<102400x64xf32, #tpu.memory_space<hbm>> -> memref<128x64xf32, #tpu.memory_space<hbm>>
        tpu.wait_dma2 semaphore(%run_scoped3A : memref<!tpu.dma_semaphore, #tpu.memory_space<semaphore_mem>>) src(%arg7 : memref<128x64xf32, #tpu.memory_space<vmem>>) dst(%dma_wait3A_66 : memref<128x64xf32, #tpu.memory_space<hbm>>)
        tpu.yield
      }) : () -> ()
    }
    %scan3A_13 = arith.constant 12 : i32
    %dma_wait3A = arith.constant 24 : i32
    %dma_wait3A_14 = arith.constant 0 : i32
    %dma_wait3A_15 = tpu.memref_slice %arg5[%dma_wait3A, %dma_wait3A_14] : memref<25x128xi32, #tpu.memory_space<vmem>> -> memref<1x128xi32, #tpu.memory_space<vmem>>
    %dma_wait3A_16 = tpu.memref_squeeze %dma_wait3A_15 : memref<1x128xi32, #tpu.memory_space<vmem>> -> memref<128xi32, #tpu.memory_space<vmem>>
    %dma_wait3A_17 = arith.constant 0 : i32
    %dma_wait3A_18 = arith.constant 0 : i32
    %dma_wait3A_19 = tpu.memref_slice %arg2[%dma_wait3A_17, %dma_wait3A_18] : memref<100000x64xf32, #tpu.memory_space<hbm>> -> memref<100000x64xf32, #tpu.memory_space<hbm>>
    tpu.wait_indirect_dma semaphore(%arg8 : memref<!tpu.dma_semaphore, #tpu.memory_space<semaphore_mem>>) src(%dma_wait3A_19 : memref<100000x64xf32, #tpu.memory_space<hbm>>) dst(%arg6 : memref<128x64xf32, #tpu.memory_space<vmem>>)
    %add3A_20 = arith.constant 3072 : i32
    %add3A_21 = arith.addi %mul3A_2, %add3A_20 : i32
    "tpu.region"() ({
      %run_scoped3A = tpu.sem_alloc : memref<!tpu.dma_semaphore, #tpu.memory_space<semaphore_mem>>
      %dma_start3A_22 = arith.constant 0 : i32
      %dma_start3A_23 = tpu.memref_slice %arg4[%add3A_21, %dma_start3A_22] : memref<102400x64xf32, #tpu.memory_space<hbm>> -> memref<128x64xf32, #tpu.memory_space<hbm>>
      %dma_start3A_24 = arith.constant 0 : i32
      %dma_start3A_25 = tpu.memref_slice %arg4[%add3A_21, %dma_start3A_24] : memref<102400x64xf32, #tpu.memory_space<hbm>> -> memref<128x64xf32, #tpu.memory_space<hbm>>
      tpu.enqueue_dma source(%arg6 : memref<128x64xf32, #tpu.memory_space<vmem>>) target(%dma_start3A_25 : memref<128x64xf32, #tpu.memory_space<hbm>>) target_semaphore(%run_scoped3A : memref<!tpu.dma_semaphore, #tpu.memory_space<semaphore_mem>>)
      %dma_wait3A_26 = arith.constant 0 : i32
      %dma_wait3A_27 = tpu.memref_slice %arg4[%add3A_21, %dma_wait3A_26] : memref<102400x64xf32, #tpu.memory_space<hbm>> -> memref<128x64xf32, #tpu.memory_space<hbm>>
      %dma_wait3A_28 = arith.constant 0 : i32
      %dma_wait3A_29 = tpu.memref_slice %arg4[%add3A_21, %dma_wait3A_28] : memref<102400x64xf32, #tpu.memory_space<hbm>> -> memref<128x64xf32, #tpu.memory_space<hbm>>
      tpu.wait_dma2 semaphore(%run_scoped3A : memref<!tpu.dma_semaphore, #tpu.memory_space<semaphore_mem>>) src(%arg6 : memref<128x64xf32, #tpu.memory_space<vmem>>) dst(%dma_wait3A_29 : memref<128x64xf32, #tpu.memory_space<hbm>>)
      tpu.yield
    }) : () -> ()
    return
  }
}

module attributes {stable_mosaic.version = 14 : i64} {
  func.func @_dense_body(%arg0: memref<1024x128xf32, #tpu.memory_space<vmem>>, %arg1: memref<1024x128xf32, #tpu.memory_space<vmem>>, %arg2: memref<1024x128xf32, #tpu.memory_space<vmem>>, %arg3: memref<512x64xf32, #tpu.memory_space<vmem>>, %arg4: memref<512x128xf32, #tpu.memory_space<vmem>>, %arg5: memref<1x512xf32, #tpu.memory_space<vmem>>, %arg6: memref<1x512xf32, #tpu.memory_space<vmem>>, %arg7: memref<256x192xf32, #tpu.memory_space<vmem>>, %arg8: memref<1x256xf32, #tpu.memory_space<vmem>>, %arg9: memref<64x256xf32, #tpu.memory_space<vmem>>, %arg10: memref<1x64xf32, #tpu.memory_space<vmem>>, %arg11: memref<1024x128xf32, #tpu.memory_space<vmem>>, %arg12: memref<1024x128xf32, #tpu.memory_space<vmem>>, %arg13: memref<1024x64xf32, #tpu.memory_space<vmem>>) attributes {dimension_semantics = [], scalar_prefetch = 0 : i64, scratch_operands = 0 : i64, tpu.core_type = #tpu.core_type<tc>} {
    %get3A = arith.constant 0 : index
    %get3A_0 = arith.constant 0 : index
    %get3A_1 = vector.load %arg0[%get3A, %get3A_0] : memref<1024x128xf32, #tpu.memory_space<vmem>>, vector<1024x64xf32>
    %get3A_2 = arith.constant 0 : index
    %get3A_3 = arith.constant 64 : index
    %get3A_4 = vector.load %arg0[%get3A_2, %get3A_3] : memref<1024x128xf32, #tpu.memory_space<vmem>>, vector<1024x64xf32>
    %get3A_5 = arith.constant 0 : index
    %get3A_6 = arith.constant 0 : index
    %get3A_7 = vector.load %arg3[%get3A_5, %get3A_6] : memref<512x64xf32, #tpu.memory_space<vmem>>, vector<512x64xf32>
    %dot_general3A = arith.constant dense<0.000000e+00> : vector<1024x512xf32>
    %dot_general3A_8 = tpu.matmul %get3A_1, %get3A_7, %dot_general3A {dimension_numbers = #tpu.dot_dimension_numbers<[1], [1], [0], [0], [0, 0, 1, 0], [], []>, transpose_lhs_hint = false} : vector<1024x64xf32>, vector<512x64xf32>, vector<1024x512xf32> -> vector<1024x512xf32>
    %get3A_9 = arith.constant 0 : index
    %get3A_10 = arith.constant 0 : index
    %get3A_11 = vector.load %arg1[%get3A_9, %get3A_10] : memref<1024x128xf32, #tpu.memory_space<vmem>>, vector<1024x128xf32>
    %get3A_12 = arith.constant 0 : index
    %get3A_13 = arith.constant 0 : index
    %get3A_14 = vector.load %arg4[%get3A_12, %get3A_13] : memref<512x128xf32, #tpu.memory_space<vmem>>, vector<512x128xf32>
    %dot_general3A_15 = arith.constant dense<0.000000e+00> : vector<1024x512xf32>
    %dot_general3A_16 = tpu.matmul %get3A_11, %get3A_14, %dot_general3A_15 {dimension_numbers = #tpu.dot_dimension_numbers<[1], [1], [0], [0], [0, 0, 1, 0], [], []>, transpose_lhs_hint = false} : vector<1024x128xf32>, vector<512x128xf32>, vector<1024x512xf32> -> vector<1024x512xf32>
    %add3A = arith.addf %dot_general3A_8, %dot_general3A_16 : vector<1024x512xf32>
    %get3A_17 = arith.constant 0 : index
    %get3A_18 = arith.constant 0 : index
    %get3A_19 = vector.load %arg5[%get3A_17, %get3A_18] : memref<1x512xf32, #tpu.memory_space<vmem>>, vector<1x512xf32>
    %add3A_20 = vector.broadcast %get3A_19 : vector<1x512xf32> to vector<1024x512xf32>
    %add3A_21 = arith.addf %add3A, %add3A_20 : vector<1024x512xf32>
    %get3A_22 = arith.constant 0 : index
    %get3A_23 = arith.constant 0 : index
    %get3A_24 = vector.load %arg6[%get3A_22, %get3A_23] : memref<1x512xf32, #tpu.memory_space<vmem>>, vector<1x512xf32>
    %add3A_25 = vector.broadcast %get3A_24 : vector<1x512xf32> to vector<1024x512xf32>
    %add3A_26 = arith.addf %add3A_21, %add3A_25 : vector<1024x512xf32>
    %slice3A = vector.extract_strided_slice %add3A_26 {offsets = [0, 0], sizes = [1024, 128], strides = [1, 1]} : vector<1024x512xf32> to vector<1024x128xf32>
    %logistic3A = arith.negf %slice3A : vector<1024x128xf32>
    %logistic3A_27 = math.exp %logistic3A : vector<1024x128xf32>
    %logistic3A_28 = arith.constant 1.000000e+00 : f32
    %logistic3A_29 = vector.broadcast %logistic3A_28 : f32 to vector<1024x128xf32>
    %logistic3A_30 = arith.addf %logistic3A_29, %logistic3A_27 : vector<1024x128xf32>
    %logistic3A_31 = arith.divf %logistic3A_29, %logistic3A_30 : vector<1024x128xf32>
    %slice3A_32 = vector.extract_strided_slice %add3A_26 {offsets = [0, 128], sizes = [1024, 128], strides = [1, 1]} : vector<1024x512xf32> to vector<1024x128xf32>
    %logistic3A_33 = arith.negf %slice3A_32 : vector<1024x128xf32>
    %logistic3A_34 = math.exp %logistic3A_33 : vector<1024x128xf32>
    %logistic3A_35 = arith.constant 1.000000e+00 : f32
    %logistic3A_36 = vector.broadcast %logistic3A_35 : f32 to vector<1024x128xf32>
    %logistic3A_37 = arith.addf %logistic3A_36, %logistic3A_34 : vector<1024x128xf32>
    %logistic3A_38 = arith.divf %logistic3A_36, %logistic3A_37 : vector<1024x128xf32>
    %slice3A_39 = vector.extract_strided_slice %add3A_26 {offsets = [0, 256], sizes = [1024, 128], strides = [1, 1]} : vector<1024x512xf32> to vector<1024x128xf32>
    %tanh3A = math.tanh %slice3A_39 : vector<1024x128xf32>
    %slice3A_40 = vector.extract_strided_slice %add3A_26 {offsets = [0, 384], sizes = [1024, 128], strides = [1, 1]} : vector<1024x512xf32> to vector<1024x128xf32>
    %logistic3A_41 = arith.negf %slice3A_40 : vector<1024x128xf32>
    %logistic3A_42 = math.exp %logistic3A_41 : vector<1024x128xf32>
    %logistic3A_43 = arith.constant 1.000000e+00 : f32
    %logistic3A_44 = vector.broadcast %logistic3A_43 : f32 to vector<1024x128xf32>
    %logistic3A_45 = arith.addf %logistic3A_44, %logistic3A_42 : vector<1024x128xf32>
    %logistic3A_46 = arith.divf %logistic3A_44, %logistic3A_45 : vector<1024x128xf32>
    %get3A_47 = arith.constant 0 : index
    %get3A_48 = arith.constant 0 : index
    %get3A_49 = vector.load %arg2[%get3A_47, %get3A_48] : memref<1024x128xf32, #tpu.memory_space<vmem>>, vector<1024x128xf32>
    %mul3A = arith.mulf %logistic3A_38, %get3A_49 : vector<1024x128xf32>
    %mul3A_50 = arith.mulf %logistic3A_31, %tanh3A : vector<1024x128xf32>
    %add3A_51 = arith.addf %mul3A, %mul3A_50 : vector<1024x128xf32>
    %tanh3A_52 = math.tanh %add3A_51 : vector<1024x128xf32>
    %mul3A_53 = arith.mulf %logistic3A_46, %tanh3A_52 : vector<1024x128xf32>
    %swap3A = arith.constant 0 : index
    %swap3A_54 = arith.constant 0 : index
    %swap3A_55 = vector.load %arg11[%swap3A, %swap3A_54] : memref<1024x128xf32, #tpu.memory_space<vmem>>, vector<1024x128xf32>
    tpu.vector_store %arg11[%swap3A, %swap3A_54], %mul3A_53 {strides = array<i32>} : memref<1024x128xf32, #tpu.memory_space<vmem>>, vector<1024x128xf32>,
    %swap3A_56 = arith.constant 0 : index
    %swap3A_57 = arith.constant 0 : index
    %swap3A_58 = vector.load %arg12[%swap3A_56, %swap3A_57] : memref<1024x128xf32, #tpu.memory_space<vmem>>, vector<1024x128xf32>
    tpu.vector_store %arg12[%swap3A_56, %swap3A_57], %add3A_51 {strides = array<i32>} : memref<1024x128xf32, #tpu.memory_space<vmem>>, vector<1024x128xf32>,
    %concatenate3A = tpu.concatenate %mul3A_53, %get3A_4 in 1 : vector<1024x128xf32>, vector<1024x64xf32> -> vector<1024x192xf32>
    %get3A_59 = arith.constant 0 : index
    %get3A_60 = arith.constant 0 : index
    %get3A_61 = vector.load %arg7[%get3A_59, %get3A_60] : memref<256x192xf32, #tpu.memory_space<vmem>>, vector<256x192xf32>
    %dot_general3A_62 = arith.constant dense<0.000000e+00> : vector<1024x256xf32>
    %dot_general3A_63 = tpu.matmul %concatenate3A, %get3A_61, %dot_general3A_62 {dimension_numbers = #tpu.dot_dimension_numbers<[1], [1], [0], [0], [0, 0, 1, 0], [], []>, transpose_lhs_hint = false} : vector<1024x192xf32>, vector<256x192xf32>, vector<1024x256xf32> -> vector<1024x256xf32>
    %get3A_64 = arith.constant 0 : index
    %get3A_65 = arith.constant 0 : index
    %get3A_66 = vector.load %arg8[%get3A_64, %get3A_65] : memref<1x256xf32, #tpu.memory_space<vmem>>, vector<1x256xf32>
    %add3A_67 = vector.broadcast %get3A_66 : vector<1x256xf32> to vector<1024x256xf32>
    %add3A_68 = arith.addf %dot_general3A_63, %add3A_67 : vector<1024x256xf32>
    %max3A = arith.constant 0.000000e+00 : f32
    %max3A_69 = vector.broadcast %max3A : f32 to vector<1024x256xf32>
    %max3A_70 = arith.maximumf %add3A_68, %max3A_69 : vector<1024x256xf32>
    %get3A_71 = arith.constant 0 : index
    %get3A_72 = arith.constant 0 : index
    %get3A_73 = vector.load %arg9[%get3A_71, %get3A_72] : memref<64x256xf32, #tpu.memory_space<vmem>>, vector<64x256xf32>
    %dot_general3A_74 = arith.constant dense<0.000000e+00> : vector<1024x64xf32>
    %dot_general3A_75 = tpu.matmul %max3A_70, %get3A_73, %dot_general3A_74 {dimension_numbers = #tpu.dot_dimension_numbers<[1], [1], [0], [0], [0, 0, 1, 0], [], []>, transpose_lhs_hint = false} : vector<1024x256xf32>, vector<64x256xf32>, vector<1024x64xf32> -> vector<1024x64xf32>
    %get3A_76 = arith.constant 0 : index
    %get3A_77 = arith.constant 0 : index
    %get3A_78 = vector.load %arg10[%get3A_76, %get3A_77] : memref<1x64xf32, #tpu.memory_space<vmem>>, vector<1x64xf32>
    %add3A_79 = vector.broadcast %get3A_78 : vector<1x64xf32> to vector<1024x64xf32>
    %add3A_80 = arith.addf %dot_general3A_75, %add3A_79 : vector<1024x64xf32>
    %max3A_81 = arith.constant 0.000000e+00 : f32
    %max3A_82 = vector.broadcast %max3A_81 : f32 to vector<1024x64xf32>
    %max3A_83 = arith.maximumf %add3A_80, %max3A_82 : vector<1024x64xf32>
    %swap3A_84 = arith.constant 0 : index
    %swap3A_85 = arith.constant 0 : index
    %swap3A_86 = vector.load %arg13[%swap3A_84, %swap3A_85] : memref<1024x64xf32, #tpu.memory_space<vmem>>, vector<1024x64xf32>
    tpu.vector_store %arg13[%swap3A_84, %swap3A_85], %max3A_83 {strides = array<i32>} : memref<1024x64xf32, #tpu.memory_space<vmem>>, vector<1024x64xf32>,
    return
  }
}

module attributes {stable_mosaic.version = 14 : i64} {
  func.func @_score_body(%arg0: i32, %arg1: memref<6400x128xf32, #tpu.memory_space<vmem>>, %arg2: memref<64x200xi32, #tpu.memory_space<vmem>>, %arg3: memref<64x64xf32, #tpu.memory_space<vmem>>, %arg4: memref<64x200xf32, #tpu.memory_space<vmem>>, %arg5: memref<64x200xf32, #tpu.memory_space<vmem>>, %arg6: memref<64x1xf32, #tpu.memory_space<vmem>>, %arg7: memref<64x1xi32, #tpu.memory_space<vmem>>, %arg8: memref<64x1xi32, #tpu.memory_space<vmem>>) attributes {dimension_semantics = [#tpu.dimension_semantics<arbitrary>], iteration_bounds = array<i64: 8>, scalar_prefetch = 0 : i64, scratch_operands = 0 : i64, tpu.core_type = #tpu.core_type<tc>, window_params = [{transform_indices = @transform_0, window_bounds = array<i64: 6400, 128>}, {transform_indices = @transform_1, window_bounds = array<i64: 64, 200>}, {transform_indices = @transform_2, window_bounds = array<i64: 64, 64>}, {transform_indices = @transform_3, window_bounds = array<i64: 64, 200>}, {transform_indices = @transform_4, window_bounds = array<i64: 64, 200>}, {transform_indices = @transform_5, window_bounds = array<i64: 64, 1>}, {transform_indices = @transform_6, window_bounds = array<i64: 64, 1>}, {transform_indices = @transform_7, window_bounds = array<i64: 64, 1>}]} {
    %get3A = arith.constant 0 : index
    %get3A_0 = arith.constant 0 : index
    %get3A_1 = vector.load %arg1[%get3A, %get3A_0] : memref<6400x128xf32, #tpu.memory_space<vmem>>, vector<6400x128xf32>
    %get3A_2 = arith.constant 0 : index
    %get3A_3 = arith.constant 0 : index
    %get3A_4 = vector.load %arg3[%get3A_2, %get3A_3] : memref<64x64xf32, #tpu.memory_space<vmem>>, vector<64x64xf32>
    %broadcast_in_dim3A = vector.shape_cast %get3A_4 : vector<64x64xf32> to vector<64x1x64xf32>
    %broadcast_in_dim3A_5 = vector.broadcast %broadcast_in_dim3A : vector<64x1x64xf32> to vector<64x100x64xf32>
    %reshape3A = vector.shape_cast %broadcast_in_dim3A_5 : vector<64x100x64xf32> to vector<6400x64xf32>
    %concatenate3A = tpu.concatenate %reshape3A, %reshape3A in 1 : vector<6400x64xf32>, vector<6400x64xf32> -> vector<6400x128xf32>
    %mul3A = arith.mulf %get3A_1, %concatenate3A : vector<6400x128xf32>
    %slice3A = vector.extract_strided_slice %mul3A {offsets = [0, 0], sizes = [6400, 64], strides = [1, 1]} : vector<6400x128xf32> to vector<6400x64xf32>
    %reduce_sum3A = arith.constant dense<0.000000e+00> : vector<6400xf32>
    %reduce_sum3A_6 = vector.multi_reduction <add>, %slice3A, %reduce_sum3A [1] : vector<6400x64xf32> to vector<6400xf32>
    %reshape3A_7 = vector.shape_cast %reduce_sum3A_6 : vector<6400xf32> to vector<64x100xf32>
    %slice3A_8 = vector.extract_strided_slice %mul3A {offsets = [0, 64], sizes = [6400, 64], strides = [1, 1]} : vector<6400x128xf32> to vector<6400x64xf32>
    %reduce_sum3A_9 = arith.constant dense<0.000000e+00> : vector<6400xf32>
    %reduce_sum3A_10 = vector.multi_reduction <add>, %slice3A_8, %reduce_sum3A_9 [1] : vector<6400x64xf32> to vector<6400xf32>
    %reshape3A_11 = vector.shape_cast %reduce_sum3A_10 : vector<6400xf32> to vector<64x100xf32>
    %stack3A = vector.shape_cast %reshape3A_7 : vector<64x100xf32> to vector<64x100x1xf32>
    %stack3A_12 = vector.shape_cast %reshape3A_11 : vector<64x100xf32> to vector<64x100x1xf32>
    %stack3A_13 = tpu.concatenate %stack3A, %stack3A_12 in 2 : vector<64x100x1xf32>, vector<64x100x1xf32> -> vector<64x100x2xf32>
    %reshape3A_14 = vector.shape_cast %stack3A_13 : vector<64x100x2xf32> to vector<64x200xf32>
    %get3A_15 = arith.constant 0 : index
    %get3A_16 = arith.constant 0 : index
    %get3A_17 = vector.load %arg2[%get3A_15, %get3A_16] : memref<64x200xi32, #tpu.memory_space<vmem>>, vector<64x200xi32>
    %eq3A = arith.constant 0 : i32
    %eq3A_18 = vector.broadcast %eq3A : i32 to vector<64x200xi32>
    %eq3A_19 = arith.cmpi eq, %get3A_17, %eq3A_18 : vector<64x200xi32>
    %jit3A = arith.constant -9.999900e+04 : f32
    %broadcast_in_dim3A_20 = vector.broadcast %jit3A : f32 to vector<64x200xf32>
    %select_n3A = arith.select %eq3A_19, %broadcast_in_dim3A_20, %reshape3A_14 : vector<64x200xi1>, vector<64x200xf32>
    %get3A_21 = arith.constant 0 : index
    %get3A_22 = arith.constant 0 : index
    %get3A_23 = vector.load %arg4[%get3A_21, %get3A_22] : memref<64x200xf32, #tpu.memory_space<vmem>>, vector<64x200xf32>
    %log3A = math.log %get3A_23 : vector<64x200xf32>
    %neg3A = arith.constant 0.000000e+00 : f32
    %neg3A_24 = vector.broadcast %neg3A : f32 to vector<64x200xf32>
    %neg3A_25 = arith.subf %neg3A_24, %log3A : vector<64x200xf32>
    %log3A_26 = math.log %neg3A_25 : vector<64x200xf32>
    %neg3A_27 = arith.constant 0.000000e+00 : f32
    %neg3A_28 = vector.broadcast %neg3A_27 : f32 to vector<64x200xf32>
    %neg3A_29 = arith.subf %neg3A_28, %log3A_26 : vector<64x200xf32>
    %add3A = arith.addf %neg3A_29, %select_n3A : vector<64x200xf32>
    %reduce_max3A = arith.constant dense<0xFF800000> : vector<64xf32>
    %reduce_max3A_30 = vector.multi_reduction <maximumf>, %add3A, %reduce_max3A [1] : vector<64x200xf32> to vector<64xf32>
    %broadcast_in_dim3A_31 = vector.shape_cast %reduce_max3A_30 : vector<64xf32> to vector<64x1xf32>
    %iota3A = tpu.iota {dimensions = array<i32: 1>} : vector<64x200xi32>
    %eq3A_32 = vector.broadcast %broadcast_in_dim3A_31 : vector<64x1xf32> to vector<64x200xf32>
    %eq3A_33 = arith.cmpf oeq, %add3A, %eq3A_32 : vector<64x200xf32>
    %jit3A_34 = arith.constant 200 : i32
    %broadcast_in_dim3A_35 = vector.broadcast %jit3A_34 : i32 to vector<64x200xi32>
    %select_n3A_36 = arith.select %eq3A_33, %iota3A, %broadcast_in_dim3A_35 : vector<64x200xi1>, vector<64x200xi32>
    %reduce_min3A = arith.constant dense<2147483647> : vector<64xi32>
    %reduce_min3A_37 = vector.multi_reduction <minsi>, %select_n3A_36, %reduce_min3A [1] : vector<64x200xi32> to vector<64xi32>
    %broadcast_in_dim3A_38 = vector.shape_cast %reduce_min3A_37 : vector<64xi32> to vector<64x1xi32>
    %swap3A = arith.constant 0 : index
    %swap3A_39 = arith.constant 0 : index
    %swap3A_40 = vector.load %arg7[%swap3A, %swap3A_39] : memref<64x1xi32, #tpu.memory_space<vmem>>, vector<64x1xi32>
    tpu.vector_store %arg7[%swap3A, %swap3A_39], %broadcast_in_dim3A_38 {strides = array<i32>} : memref<64x1xi32, #tpu.memory_space<vmem>>, vector<64x1xi32>,
    %eq3A_41 = vector.broadcast %broadcast_in_dim3A_38 : vector<64x1xi32> to vector<64x200xi32>
    %eq3A_42 = arith.cmpi eq, %iota3A, %eq3A_41 : vector<64x200xi32>
    %jit3A_43 = arith.constant 0 : i32
    %broadcast_in_dim3A_44 = vector.broadcast %jit3A_43 : i32 to vector<64x200xi32>
    %select_n3A_45 = arith.select %eq3A_42, %get3A_17, %broadcast_in_dim3A_44 : vector<64x200xi1>, vector<64x200xi32>
    %reduce_sum3A_46 = arith.constant dense<0> : vector<64xi32>
    %reduce_sum3A_47 = vector.multi_reduction <add>, %select_n3A_45, %reduce_sum3A_46 [1] : vector<64x200xi32> to vector<64xi32>
    %broadcast_in_dim3A_48 = vector.shape_cast %reduce_sum3A_47 : vector<64xi32> to vector<64x1xi32>
    %swap3A_49 = arith.constant 0 : index
    %swap3A_50 = arith.constant 0 : index
    %swap3A_51 = vector.load %arg8[%swap3A_49, %swap3A_50] : memref<64x1xi32, #tpu.memory_space<vmem>>, vector<64x1xi32>
    tpu.vector_store %arg8[%swap3A_49, %swap3A_50], %broadcast_in_dim3A_48 {strides = array<i32>} : memref<64x1xi32, #tpu.memory_space<vmem>>, vector<64x1xi32>,
    %reduce_max3A_52 = arith.constant dense<0xFF800000> : vector<64xf32>
    %reduce_max3A_53 = vector.multi_reduction <maximumf>, %select_n3A, %reduce_max3A_52 [1] : vector<64x200xf32> to vector<64xf32>
    %broadcast_in_dim3A_54 = vector.shape_cast %reduce_max3A_53 : vector<64xf32> to vector<64x1xf32>
    %sub3A = vector.broadcast %broadcast_in_dim3A_54 : vector<64x1xf32> to vector<64x200xf32>
    %sub3A_55 = arith.subf %select_n3A, %sub3A : vector<64x200xf32>
    %exp3A = math.exp %sub3A_55 : vector<64x200xf32>
    %reduce_sum3A_56 = arith.constant dense<0.000000e+00> : vector<64xf32>
    %reduce_sum3A_57 = vector.multi_reduction <add>, %exp3A, %reduce_sum3A_56 [1] : vector<64x200xf32> to vector<64xf32>
    %broadcast_in_dim3A_58 = vector.shape_cast %reduce_sum3A_57 : vector<64xf32> to vector<64x1xf32>
    %log3A_59 = math.log %broadcast_in_dim3A_58 : vector<64x1xf32>
    %sub3A_60 = vector.broadcast %log3A_59 : vector<64x1xf32> to vector<64x200xf32>
    %sub3A_61 = arith.subf %sub3A_55, %sub3A_60 : vector<64x200xf32>
    %swap3A_62 = arith.constant 0 : index
    %swap3A_63 = arith.constant 0 : index
    %swap3A_64 = vector.load %arg5[%swap3A_62, %swap3A_63] : memref<64x200xf32, #tpu.memory_space<vmem>>, vector<64x200xf32>
    tpu.vector_store %arg5[%swap3A_62, %swap3A_63], %sub3A_61 {strides = array<i32>} : memref<64x200xf32, #tpu.memory_space<vmem>>, vector<64x200xf32>,
    %eq3A_65 = vector.broadcast %broadcast_in_dim3A_38 : vector<64x1xi32> to vector<64x200xi32>
    %eq3A_66 = arith.cmpi eq, %iota3A, %eq3A_65 : vector<64x200xi32>
    %jit3A_67 = arith.constant 0.000000e+00 : f32
    %broadcast_in_dim3A_68 = vector.broadcast %jit3A_67 : f32 to vector<64x200xf32>
    %select_n3A_69 = arith.select %eq3A_66, %sub3A_61, %broadcast_in_dim3A_68 : vector<64x200xi1>, vector<64x200xf32>
    %reduce_sum3A_70 = arith.constant dense<0.000000e+00> : vector<64xf32>
    %reduce_sum3A_71 = vector.multi_reduction <add>, %select_n3A_69, %reduce_sum3A_70 [1] : vector<64x200xf32> to vector<64xf32>
    %broadcast_in_dim3A_72 = vector.shape_cast %reduce_sum3A_71 : vector<64xf32> to vector<64x1xf32>
    %neg3A_73 = arith.constant 0.000000e+00 : f32
    %neg3A_74 = vector.broadcast %neg3A_73 : f32 to vector<64x1xf32>
    %neg3A_75 = arith.subf %neg3A_74, %broadcast_in_dim3A_72 : vector<64x1xf32>
    %swap3A_76 = arith.constant 0 : index
    %swap3A_77 = arith.constant 0 : index
    %swap3A_78 = vector.load %arg6[%swap3A_76, %swap3A_77] : memref<64x1xf32, #tpu.memory_space<vmem>>, vector<64x1xf32>
    tpu.vector_store %arg6[%swap3A_76, %swap3A_77], %neg3A_75 {strides = array<i32>} : memref<64x1xf32, #tpu.memory_space<vmem>>, vector<64x1xf32>,
    return
  }
  func.func @transform_0(%arg0: i32) -> (i32, i32) {
    %c0_i32 = arith.constant 0 : i32
    %c0_i32_0 = arith.constant 0 : i32
    return %arg0, %c0_i32 : i32, i32
  }
  func.func @transform_1(%arg0: i32) -> (i32, i32) {
    %c0_i32 = arith.constant 0 : i32
    %c0_i32_0 = arith.constant 0 : i32
    return %arg0, %c0_i32 : i32, i32
  }
  func.func @transform_2(%arg0: i32) -> (i32, i32) {
    %c0_i32 = arith.constant 0 : i32
    %c0_i32_0 = arith.constant 0 : i32
    return %arg0, %c0_i32 : i32, i32
  }
  func.func @transform_3(%arg0: i32) -> (i32, i32) {
    %c0_i32 = arith.constant 0 : i32
    %c0_i32_0 = arith.constant 0 : i32
    return %arg0, %c0_i32 : i32, i32
  }
  func.func @transform_4(%arg0: i32) -> (i32, i32) {
    %c0_i32 = arith.constant 0 : i32
    %c0_i32_0 = arith.constant 0 : i32
    return %arg0, %c0_i32 : i32, i32
  }
  func.func @transform_5(%arg0: i32) -> (i32, i32) {
    %c0_i32 = arith.constant 0 : i32
    %c0_i32_0 = arith.constant 0 : i32
    return %arg0, %c0_i32 : i32, i32
  }
  func.func @transform_6(%arg0: i32) -> (i32, i32) {
    %c0_i32 = arith.constant 0 : i32
    %c0_i32_0 = arith.constant 0 : i32
    return %arg0, %c0_i32 : i32, i32
  }
  func.func @transform_7(%arg0: i32) -> (i32, i32) {
    %c0_i32 = arith.constant 0 : i32
    %c0_i32_0 = arith.constant 0 : i32
    return %arg0, %c0_i32 : i32, i32
  }
}

</mosaic_0001>

<sc_bundles>
// kernel: kernel.11.cloned.1.call-start
scs
__scs_entry_jumppad:
0x0: {  	(pc) =	sbr.rel $0x88, $3  }
0x1: {  	(tag) =	ssettag $0x0;
	lr =	simm.s32 $0x1  }
0x2: {  	[smem:$0x3F93] =	sst lr;
	_ =	strace $0xD0000000  }
0x3: {  	_ = 	snop  }
0x4: {  	_ = 	snop  }
0x5: {  	_ = 	snop  }
0x6: {  	_ = 	snop  }
0x7: {  	_ = 	snop  }
__scs_overlays_trampoline_lowered:
0x8: {  	[smem:$0x3FA2] =	sst s0  }
0x9: {  	[smem:$0x3FA3] =	sst s1  }
0xa: {  	[smem:$0x3FA4] =	sst s2  }
0xb: {  	[smem:$0x3FA5] =	sst s3  }
0xc: {  	[smem:$0x3FA6] =	sst s4  }
0xd: {  	[smem:$0x3FA7] =	sst s5  }
0xe: {  	[smem:$0x3FA8] =	sst s6  }
0xf: {  	[smem:$0x3FA9] =	sst s7  }
0x10: {  	[smem:$0x3FAA] =	sst s8  }
0x11: {  	[smem:$0x3FAB] =	sst s9;
	s0 =	simm.s32 @!p0 $0x0  }
0x12: {  	s1 =	sld [smem:$0x3F91];
	s0 =	simm.s32 @p0 $0x1  }
0x13: {  	[smem:$0x3FAC] =	sst s0;
	s0 =	simm.s32 @!p1 $0x0  }
0x14: {  	s2 =	sld [smem:$0x3F90];
	s0 =	simm.s32 @p1 $0x1  }
0x15: {  	[smem:$0x3FAD] =	sst s0;
	s0 =	simm.s32 @!p2 $0x0  }
0x16: {  	s3 =	sld [smem:$0x3FDB];
	s0 =	simm.s32 @p2 $0x1  }
0x17: {  	s4 =	simm.s32 $0x1BF5;
	[smem:$0x3FAF] =	sst s0  }
0x18: {  	s0 =	sld [smem:$0x3F92];
	_ =	swait.ge [sflag:s4], $0x0  }
0x19: {  	s7 =	sld [smem:$0x3F93]  }
0x1a: {  	s8 =	sadd.s32 $0xFFFFE003, lr  }
0x1b: {  	s9 =	sadd.s32 $0xFFFFFEF7, lr;
	s5 =	simm.s32 $0xFFFFFFFF;
	p2 =	slt.u32 s8, $0xFFFFF086  }
0x1c: {  	p1 =	slt.u32 s9, $0xF7A;
	s5 =	simm.s32 @!p2 $0x0  }
0x1d: {  	s5 =	simm.s32 @p1 $0x1;
	p0 =	seq.s32 s7, s2  }
0x1e: {  	s7 =	smul.u32 @!p0 $0xF7A, s2;
	p2 =	seq.s32 @!p0 s5, $0x0  }
0x1f: {  	s9 =	smul.u32 $0xF7A, s1;
	s8 =	simm.s32 @!p0 $0x1BF5;
	p2 =	por !p2, p0  }
0x20: {  	[sflag:s8] =	ssyncset.s32 @!p0 $0xFFFFF086;
	s6 =	sadd.s32 @!p0 s3, s7;
	s7 =	simm.s32 @!p0 $0x108  }
0x21: {  	s3 =	sadd.s32 s3, s9;
	s6 =	sadd.s32 @!p0 $0x88, s6;
	s7 =	simm.s32 @p2 $0x1082  }
0x22: {  	[simem:s7], [sflag:s8] =	dma.local @!p0 [hbm:s6], $0xF7A  }
0x23: {  	s9 =	sor.u32 $0xD0000000, s2;
	s6 =	simm.s32 $0x108;
	_ =	swait.ge @!p0 [sflag:s8], $0x0  }
0x24: {  	s3 =	sadd.s32 $0x88, s3;
	s6 =	simm.s32 @!p1 $0x1082;
	[sflag:s4] =	ssyncset.s32 $0xFFFFF086  }
0x25: {  	[simem:s6], [sflag:s4] =	dma.local [hbm:s3], $0xF7A  }
0x26: {  	[smem:$0x3F93] =	sst s1;
	(tag) =	ssettag s2;
	_ =	strace s9  }
0x27: {  	s1 =	sld [smem:$0x3FA3]  }
0x28: {  	s2 =	sld [smem:$0x3FA4]  }
0x29: {  	s4 =	sld [smem:$0x3FA6]  }
0x2a: {  	p0 =	seq.s32 s5, $0x0;
	s5 =	sld [smem:$0x3FA7]  }
0x2b: {  	s6 =	sld [smem:$0x3FA8]  }
0x2c: {  	s7 =	sld [smem:$0x3FA9]  }
0x2d: {  	s3 =	simm.s32 $0x108;
	s8 =	sld [smem:$0x3FAA]  }
0x2e: {  	s3 =	simm.s32 @!p0 $0x1082;
	s9 =	sld [smem:$0x3FAB]  }
0x2f: {  	lr =	sadd.s32 s0, s3;
	s0 =	sld [smem:$0x3FA2]  }
0x30: {  	s3 =	sld [smem:$0x3FA5]  }
0x31: {  	[smem:$0x3FAE] =	sst s10  }
0x32: {  	s10 =	sld [smem:$0x3FAC];
	_ =	sdelay $0x3  }
0x33: {  	p0 =	seq.s32 s10, $0x1;
	s10 =	sld [smem:$0x3FAE];
	_ =	sdelay $0x3  }
0x34: {  	[smem:$0x3FAE] =	sst s10  }
0x35: {  	s10 =	sld [smem:$0x3FAD];
	_ =	sdelay $0x3  }
0x36: {  	p1 =	seq.s32 s10, $0x1;
	s10 =	sld [smem:$0x3FAE];
	_ =	sdelay $0x3  }
0x37: {  	[smem:$0x3FAE] =	sst s10  }
0x38: {  	s10 =	sld [smem:$0x3FAF]  }
0x39: {  	_ = 	snop;
	(pc) =	sbr.ind lr, $3  }
0x3a: {  	_ = 	snop  }
0x3b: {  	_ = 	snop  }
0x3c: {  	p2 =	seq.s32 s10, $0x1;
	s10 =	sld [smem:$0x3FAE]  }
0x3d: {  	_ =	shalt  }
0x3e: {  	_ =	shalt  }
0x3f: {  	_ =	shalt  }
0x40: {  	_ =	shalt  }
0x41: {  	_ =	shalt  }
0x42: {  	_ =	shalt  }
0x43: {  	_ =	shalt  }
0x44: {  	_ =	shalt  }
0x45: {  	_ =	shalt  }
0x46: {  	_ =	shalt  }
0x47: {  	_ =	shalt  }
0x48: {  	_ =	shalt  }
0x49: {  	_ =	shalt  }
0x4a: {  	_ =	shalt  }
0x4b: {  	_ =	shalt  }
0x4c: {  	_ =	shalt  }
0x4d: {  	_ =	shalt  }
0x4e: {  	_ =	shalt  }
0x4f: {  	_ =	shalt  }
0x50: {  	_ =	shalt  }
0x51: {  	_ =	shalt  }
0x52: {  	_ =	shalt  }
0x53: {  	_ =	shalt  }
0x54: {  	_ =	shalt  }
0x55: {  	_ =	shalt  }
0x56: {  	_ =	shalt  }
0x57: {  	_ =	shalt  }
0x58: {  	_ =	shalt  }
0x59: {  	_ =	shalt  }
0x5a: {  	_ =	shalt  }
0x5b: {  	_ =	shalt  }
0x5c: {  	_ =	shalt  }
0x5d: {  	_ =	shalt  }
0x5e: {  	_ =	shalt  }
0x5f: {  	_ =	shalt  }
0x60: {  	_ =	shalt  }
0x61: {  	_ =	shalt  }
0x62: {  	_ =	shalt  }
0x63: {  	_ =	shalt  }
0x64: {  	_ =	shalt  }
0x65: {  	_ =	shalt  }
0x66: {  	_ =	shalt  }
0x67: {  	_ =	shalt  }
0x68: {  	_ =	shalt  }
0x69: {  	_ =	shalt  }
0x6a: {  	_ =	shalt  }
0x6b: {  	_ =	shalt  }
0x6c: {  	_ =	shalt  }
0x6d: {  	_ =	shalt  }
0x6e: {  	_ =	shalt  }
0x6f: {  	_ =	shalt  }
0x70: {  	_ =	shalt  }
0x71: {  	_ =	shalt  }
0x72: {  	_ =	shalt  }
0x73: {  	_ =	shalt  }
0x74: {  	_ =	shalt  }
0x75: {  	_ =	shalt  }
0x76: {  	_ =	shalt  }
0x77: {  	_ =	shalt  }
0x78: {  	_ =	shalt  }
0x79: {  	_ =	shalt  }
0x7a: {  	_ =	shalt  }
0x7b: {  	_ =	shalt  }
0x7c: {  	_ =	shalt  }
0x7d: {  	_ =	shalt  }
0x7e: {  	_ =	shalt  }
0x7f: {  	_ =	shalt  }
0x80: {  	_ =	shalt  }
0x81: {  	_ =	shalt  }
0x82: {  	_ =	shalt  }
0x83: {  	_ =	shalt  }
0x84: {  	_ =	shalt  }
0x85: {  	_ =	shalt  }
0x86: {  	_ =	shalt  }
0x87: {  	_ =	shalt  }
.Lfunc_end0:
.L_simem_size_0:
called_computation.1_lowered:
.L_overlay_start_0:
0x88: {  	s2 =	sld [smem:$0x3FD9]  }
0x89: {  	s3 =	sld [smem:$0x3FFE];
	_ =	sdelay $0x1  }
0x8a: {  	s1 =	srdreg.scid  }
0x8b: {  	s0 =	sand.u32 $0x1, s1  }
0x8c: {  	s17 =	sshll.u32 s0, $0xA;
	s2 =	sadd.s32 s3, s2  }
0x8d: {  	s2 =	sadd.s32 s2, s17  }
0x8e: {  	[smem:$0x3FBA] =	sst s2  }
0x8f: {  	_ = 	snop  }
0x90: {  	(tm) =	ssettm $0x1  }
0x91: {  	s18 =	sld [smem:$0x3FFB];
	_ =	sdelay $0x3  }
0x92: {  	_ =	strace s18  }
0x93: {  	s2 =	sld [smem:$0x3FFC];
	_ =	sdelay $0x3  }
0x94: {  	_ =	strace s2  }
0x95: {  	s2 =	sld [smem:$0x3FFD];
	_ =	sdelay $0x3  }
0x96: {  	_ =	strace s2  }
0x97: {  	_ =	strace $0x8FFFFFFF  }
0x98: {  	s19 =	sld [smem:$0x3FDB];
	_ =	sdelay $0x1  }
0x99: {  	s20 =	simm.s32 $_scs_section_size  }
0x9a: {  	s4 =	simm.s32 $_size__tile_overlayer_lowered;
	s5 =	simm.s32 $_tile_overlayer_lowered  }
0x9b: {  	s6 =	simm.s32 $0x1BFF;
	s21 =	sshll.u32 s5, $0x1;
	s3 =	sadd.s32 s20, s19  }
0x9c: {  	s22 =	simm.s32 $0x0;
	s4 =	sshll.u32 s4, $0x1;
	s5 =	sadd.s32 s21, s3  }
0x9d: {  	[timem:s22], [sflag:s6] =	dma.local [hbm:s5], s4  }
0x9e: {  	_ =	swait.ge [sflag:s6], s4  }
0x9f: {  	s4 =	ssub.s32 $0x0, s4;
	[sflag:s6] =	ssyncset.done $0x0  }
0xa0: {  	[sflag:s6] =	ssyncadd.s32 s4;
	_ =	sdelay $0x1  }
0xa1: {  	s23 =	simm.s32 $0x1B8B  }
0xa2: {  	_ =	swait.ge [sflag:s23], $0x1  }
0xa3: {  	[sflag:s23] =	ssyncset.done $0x0  }
0xa4: {  	[sflag:s23] =	ssyncadd.s32 $0xFFFFFFFF  }
0xa5: {  	s4 =	sld [smem:$0x0]  }
0xa6: {  	s5 =	sand.u32 $0xFFFFFFFE, s1  }
0xa7: {  	p0 =	sne.s32 s1, s5  }
0xa8: {  	s5 =	sshll.u32 @p0 s5, $0xE  }
0xa9: {  	s5 =	sadd.s32 @p0 $0x11B8D, s5;
	s6 =	sshll.u32 @p0 s4, $0x11  }
0xaa: {  	s5 =	sor.u32 @p0 s6, s5  }
0xab: {  	[sflag:s5] =	ssyncadd.remote.s32 @p0 $0x1;
	_ =	sdelay $0x1  }
0xac: {  	s5 =	simm.s32 @p0 $0x1B8D  }
0xad: {  	_ =	swait.eq @p0 [sflag:s5], $0x1  }
0xae: {  	[sflag:s5] =	ssyncadd.s32 @p0 $0xFFFFFFFF  }
0xaf: {  	s6 =	sshll.u32 @!p0 s1, $0xE  }
0xb0: {  	s6 =	sor.u32 @!p0 $0x4000, s6;
	s5 =	simm.s32 @!p0 $0x1B8D  }
0xb1: {  	s4 =	sshll.u32 @!p0 s4, $0x11;
	s6 =	sadd.s32 @!p0 $0x11B8D, s6;
	_ =	swait.eq @!p0 [sflag:s5], $0x1  }
0xb2: {  	s4 =	sor.u32 @!p0 s4, s6;
	[sflag:s5] =	ssyncadd.s32 @!p0 $0xFFFFFFFF  }
0xb3: {  	s25 =	simm.s32 $0x1B8E;
	s24 =	sld [smem:$0x3FFE];
	[sflag:s4] =	ssyncadd.remote.s32 @!p0 $0x1  }
0xb4: {  	s26 =	simm.s32 $execute0_lowered;
	[smem:$0x3FD2] =	sst s25  }
0xb5: {  	s5 =	sshll.u32 s26, $0x1;
	_ =	strace $0x80000049;
	[dreg:$0x1] =	wrdreg $0xFFFFFFFF  }
0xb6: {  	s28 =	simm.s32 $_size_execute0_lowered;
	s3 =	sadd.s32 s3, s5;
	[dreg:$0x0] =	wrdreg $0x0  }
0xb7: {  	s5 =	sshll.u32 s28, $0x1;
	[dreg:$0x2] =	wrdreg s3  }
0xb8: {  	[dreg:$0x3] =	wrdreg s5  }
0xb9: {  	[dreg:$0x4] =	wrdreg $0xC0  }
0xba: {  	_ =	task [dreg:s22], $0x5FFFF  }
0xbb: {  	[dreg:$0x1] =	wrdreg $0xFFFFFFFF  }
0xbc: {  	[dreg:$0x0] =	wrdreg $0x60  }
0xbd: {  	[dreg:$0x2] =	wrdreg s24  }
0xbe: {  	[dreg:$0x3] =	wrdreg $0xA  }
0xbf: {  	_ =	task.clear_ibuf [dreg:s22], $0x4FFFF;
	_ =	strace $0x90000049  }
0xc0: {  	s29 =	simm.s32 $0xA;
	_ =	strace $0x8000004B  }
0xc1: {  	_ =	swait.ge [sflag:s29], $0x1  }
0xc2: {  	[sflag:s29] =	ssyncadd.s32 $0xFFFFFFFF  }
0xc3: {  	_ =	strace $0x9000004B  }
0xc4: {  	_ =	sfence  }
0xc5: {  	s30 =	sld [smem:$0x0];
	_ =	sdelay $0x2  }
0xc6: {  	s31 =	sshll.u32 s1, $0xD;
	s1 =	sshrl.u32 s1, $0x2  }
0xc7: {  	s4 =	sand.u32 $0x4000, s31;
	s1 =	sadd.s32 s1, s30  }
0xc8: {  	s0 =	sor.u32 s4, s0;
	s1 =	sshll.u32 s1, $0x11  }
0xc9: {  	s0 =	sor.u32 s1, s0  }
0xca: {  	s0 =	sadd.s32 $0x8F2B, s0  }
0xcb: {  	[sflag:s0] =	ssyncadd.remote.s32 $0x1  }
0xcc: {  	_ =	sfence.sel $0xFFFF  }
0xcd: {  	[dreg:$0x0] =	wrdreg $0xFFFFFFFF;
	(pc) =	sbr.abs _section_cstart, $3  }
0xce: {  	[dreg:$0x1] =	wrdreg $0xFFFFFFFF  }
0xcf: {  	_ =	task.clear_ibuf [dreg:s22], $0x2FFFF;
	_ =	strace $0x9FFFFFFF  }
0xd0: {  	(tm) =	ssettm $0x7FFFFFFF  }
0xd1: {  	_ =	shalt  }
tec
execute0_lowered:
.L_overlay_start_1:
0x0: {  	(tag) =	ssettag $0x1  }
0x1: {  	s1 =	srdreg.scid  }
0x2: {  	s0 =	stileid.u32;
	s4 =	rddreg [dreg:$0x0]  }
0x3: {  	s2 =	simm.s32 $0x0;
	s14 =	simm.s32 $0x2;
	s8 =	smul.u32 $0x64000, s0  }
0x4: {  	s15 =	simm.s32 $0x0;
	s5 =	sand.u32 $0x1, s1;
	s10 =	smul.u32 $0x1900, s0  }
0x5: {  	s3 =	sshll.u32 s0, $0x1;
	s1 =	rddreg [dreg:$0x1];
	s12 =	smul.u32 $0xC80, s5  }
0x6: {  	[smem:$0x7FF] =	sst s2;
	s3 =	sor.u32 s5, s3;
	s13 =	smul.u32 $0x32000, s5  }
0x7: {  	s11 =	sadd.s32 $0x6A00, s4;
	s9 =	ssub.s32 $0x2, s5;
	s6 =	smul.u32 $0xC80, s3  }
0x8: {  	_ =	strace $0x8000004A;
	s7 =	smul.u32 $0x32000, s3;
	s26 =	sshrl.u32 s9, $0x1  }
0x9: {  	s3 =	sadd.s32 $0x18A200, s4;
	s9 =	ssub.s32 s9, s26;
	s29 =	sadd.s32 s12, s10  }
0xa: {  	s30 =	sadd.s32 s13, s8;
	s10 =	simm.s32 $0xC80;
	s12 =	simm.s32 $0x2C80  }
0xb: {  	s13 =	simm.s32 $0x1;
	s6 =	sshrl.u32 s6, $0x3;
	s7 =	sshrl.u32 s7, $0x3  }
0xc: {  	s31 =	sshll.u32 s29, $0x3;
	s6 =	sadd.s32 s6, s4;
	s28 =	sadd.s32 s11, s7  }
0xd: {  	s7 =	sshrl.u32 s30, $0x3;
	s8 =	sadd.s32 s11, s31;
	s4 =	sadd.s32 $0x3800, s6  }
0xe: {  	s5 =	sadd.s32 $0x6000, s28;
	s6 =	smax.u32 s9, $0x1;
	s7 =	sadd.s32 s7, s11  }
0xf: {  	s8 =	sadd.s32 $0x400, s8;
	s9 =	simm.s32 $0x3;
	s11 =	simm.s32 $0x80  }
.LBB2_1:
0x10: {  	[tilespmem:s2], [sflag:$0x3] =	stream.linear.gather [hbm4b:s4+s2], $0xC80, $0x38;
	[tilespmem:$0x4C80] =	vst v63  }
0x11: {  	_ =	swait.ge [sflag:s9], $0xC80  }
0x12: {  	[sflag:s9] =	ssyncset.done $0x0  }
0x13: {  	[sflag:s9] =	ssyncadd.s32 $0xFFFFF380  }
0x14: {  	[tilespmem:s10], [sflag:$0x1] =	stream.indirect.gather [hbm4b:s3+s11], $0x40, s2, s11, $0xb8;
	[tilespmem:$0x4C80] =	vst v63  }
0x15: {  	_ = 	snop  }
0x16: {  	[tilespmem:s12], [sflag:$0x2] =	stream.indirect.gather [hbm4b:s3+s11], $0x40, s11, s11, $0xb8;
	[tilespmem:$0x4C80] =	vst v63  }
0x17: {  	_ =	swait.ge [sflag:s13], $0x2000  }
0x18: {  	[sflag:s13] =	ssyncset.done $0x0  }
0x19: {  	s16 =	sadd.s32 $0x0, s7;
	[sflag:s13] =	ssyncadd.s32 $0xFFFFE000  }
0x1a: {  	[hbm4b:s16+s2] =	stream.linear.scatter [tilespmem:s10], [sflag:$0x3], $0x2000, $0x38;
	[tilespmem:$0x4C80] =	vst v63  }
0x1b: {  	_ =	swait.ge [sflag:s9], $0x2000  }
0x1c: {  	[sflag:s9] =	ssyncset.done $0x0  }
0x1d: {  	s30 =	simm.s32 $0x100;
	[sflag:s9] =	ssyncadd.s32 $0xFFFFE000  }
0x1e: {  	[tilespmem:s10], [sflag:$0x1] =	stream.indirect.gather [hbm4b:s3+s11], $0x40, s30, s11, $0xb8;
	[tilespmem:$0x4C80] =	vst v63  }
0x1f: {  	_ =	swait.ge [sflag:s14], $0x2000  }
0x20: {  	[sflag:s14] =	ssyncset.done $0x0  }
0x21: {  	s31 =	sadd.s32 $0x0, s8;
	[sflag:s14] =	ssyncadd.s32 $0xFFFFE000  }
0x22: {  	[hbm4b:s31+s2] =	stream.linear.scatter [tilespmem:s12], [sflag:$0x3], $0x2000, $0x38;
	[tilespmem:$0x4C80] =	vst v63  }
0x23: {  	_ =	swait.ge [sflag:s9], $0x2000  }
0x24: {  	s17 =	simm.s32 $0x80;
	s16 =	simm.s32 $0x800;
	[sflag:s9] =	ssyncset.done $0x0  }
.LBB2_2:
0x25: {  	p0 =	sne.s32 s16, $0x5800;
	[sflag:s9] =	ssyncadd.s32 $0xFFFFE000;
	s17 =	sadd.s32 $0x100, s17  }
0x26: {  	[tilespmem:s12], [sflag:$0x2] =	stream.indirect.gather [hbm4b:s3+s11], $0x40, s17, s11, $0xb8;
	[tilespmem:$0x4C80] =	vst v63  }
0x27: {  	s18 =	smov.u32 s16;
	s16 =	sadd.s32 $0x800, s16;
	_ =	swait.ge [sflag:s13], $0x2000  }
0x28: {  	[sflag:s13] =	ssyncset.done $0x0  }
0x29: {  	s19 =	sadd.s32 s18, s7;
	[sflag:s13] =	ssyncadd.s32 $0xFFFFE000  }
0x2a: {  	[hbm4b:s19+s2] =	stream.linear.scatter [tilespmem:s10], [sflag:$0x3], $0x2000, $0x38;
	[tilespmem:$0x4C80] =	vst v63  }
0x2b: {  	_ =	swait.ge [sflag:s9], $0x2000  }
0x2c: {  	[sflag:s9] =	ssyncset.done $0x0  }
0x2d: {  	s19 =	sadd.s32 $0x80, s17;
	[sflag:s9] =	ssyncadd.s32 $0xFFFFE000  }
0x2e: {  	[tilespmem:s10], [sflag:$0x1] =	stream.indirect.gather [hbm4b:s3+s11], $0x40, s19, s11, $0xb8;
	[tilespmem:$0x4C80] =	vst v63  }
0x2f: {  	_ =	swait.ge [sflag:s14], $0x2000  }
.Ltmp0:
0x30: {  	[sflag:s14] =	ssyncset.done $0x0;
	(pc) =	sbr.rel @p0 .LBB2_2-.Ltmp0, $4  }
0x31: {  	s18 =	sadd.s32 s18, s8;
	[sflag:s14] =	ssyncadd.s32 $0xFFFFE000  }
0x32: {  	[hbm4b:s18+s2] =	stream.linear.scatter [tilespmem:s12], [sflag:$0x3], $0x2000, $0x38;
	[tilespmem:$0x4C80] =	vst v63  }
0x33: {  	_ =	swait.ge [sflag:s9], $0x2000  }
0x34: {  	[sflag:s9] =	ssyncset.done $0x0  }
0x35: {  	[sflag:s9] =	ssyncadd.s32 $0xFFFFE000  }
0x36: {  	s15 =	sadd.s32 $0x1, s15;
	_ =	swait.ge [sflag:s13], $0x2000  }
0x37: {  	p0 =	sne.s32 s15, s6;
	[sflag:s13] =	ssyncset.done $0x0  }
.Ltmp1:
0x38: {  	[sflag:s13] =	ssyncadd.s32 $0xFFFFE000;
	(pc) =	sbr.rel @p0 .LBB2_1-.Ltmp1, $4  }
0x39: {  	[hbm4b:s5+s2] =	stream.linear.scatter [tilespmem:s10], [sflag:$0x3], $0x2000, $0x38;
	[tilespmem:$0x4C80] =	vst v63  }
0x3a: {  	_ =	swait.ge [sflag:s9], $0x2000  }
0x3b: {  	[sflag:s9] =	ssyncset.done $0x0  }
0x3c: {  	[sflag:s9] =	ssyncadd.s32 $0xFFFFE000  }
0x3d: {  	_ =	sfence.sel $0x180000  }
0x3e: {  	[bflag:$0x0] =	sbarrier.arrive $0xFFFF  }
0x3f: {  	p0 =	sne.s32 s0, $0x0;
	_ =	strace $0x9000004A  }
0x40: {  	s0 =	sadd.s32 @!p0 $0x100000, s1;
	[bflag:$0x2] =	sbarrier.arrive $0xFFFF  }
0x41: {  	[sflag:s0] =	ssyncadd.tile.s32 @!p0 $0x1;
	_ =	shalt  }
.Lfunc_end2:
_tile_overlayer_lowered:
.L_overlay_start_2:
0x42: {  	(tag) =	ssettag $0x2  }
0x43: {  	s0 =	rddreg [dreg:$0x0];
	s2 =	stileid.u32  }
0x44: {  	s1 =	rddreg [dreg:$0x1];
	p0 =	sne.s32 s2, $0x0  }
0x45: {  	s3 =	rddreg [dreg:$0x2];
	[bflag:$0x3] =	sbarrier.arrive $0xFFFF;
	s2 =	simm.s32 @!p0 $0x1C03  }
0x46: {  	[timem:s3], [sflag:s2] =	dma.local @!p0 [hbm:s0], s1  }
0x47: {  	s0 =	simm.s32 @!p0 $0x3  }
0x48: {  	_ =	swait.ge @!p0 [sflag:s0], s1  }
0x49: {  	s1 =	ssub.s32 @!p0 $0x0, s1;
	[sflag:s0] =	ssyncset.done @!p0 $0x0  }
0x4a: {  	[sflag:s0] =	ssyncadd.s32 @!p0 s1  }
0x4b: {  	[bflag:$0x3] =	sbarrier.arrive $0xFFFF  }
0x4c: {  	_ =	shalt  }

// kernel: kernel.14.cloned.1.call-start
scs
__scs_entry_jumppad:
0x0: {  	(pc) =	sbr.rel $0x88, $3  }
0x1: {  	(tag) =	ssettag $0x0;
	lr =	simm.s32 $0x1  }
0x2: {  	[smem:$0x3F93] =	sst lr;
	_ =	strace $0xD0000000  }
0x3: {  	_ = 	snop  }
0x4: {  	_ = 	snop  }
0x5: {  	_ = 	snop  }
0x6: {  	_ = 	snop  }
0x7: {  	_ = 	snop  }
__scs_overlays_trampoline_lowered:
0x8: {  	[smem:$0x3FA2] =	sst s0  }
0x9: {  	[smem:$0x3FA3] =	sst s1  }
0xa: {  	[smem:$0x3FA4] =	sst s2  }
0xb: {  	[smem:$0x3FA5] =	sst s3  }
0xc: {  	[smem:$0x3FA6] =	sst s4  }
0xd: {  	[smem:$0x3FA7] =	sst s5  }
0xe: {  	[smem:$0x3FA8] =	sst s6  }
0xf: {  	[smem:$0x3FA9] =	sst s7  }
0x10: {  	[smem:$0x3FAA] =	sst s8  }
0x11: {  	[smem:$0x3FAB] =	sst s9;
	s0 =	simm.s32 @!p0 $0x0  }
0x12: {  	s1 =	sld [smem:$0x3F91];
	s0 =	simm.s32 @p0 $0x1  }
0x13: {  	[smem:$0x3FAC] =	sst s0;
	s0 =	simm.s32 @!p1 $0x0  }
0x14: {  	s2 =	sld [smem:$0x3F90];
	s0 =	simm.s32 @p1 $0x1  }
0x15: {  	[smem:$0x3FAD] =	sst s0;
	s0 =	simm.s32 @!p2 $0x0  }
0x16: {  	s3 =	sld [smem:$0x3FDB];
	s0 =	simm.s32 @p2 $0x1  }
0x17: {  	s4 =	simm.s32 $0x1BF5;
	[smem:$0x3FAF] =	sst s0  }
0x18: {  	s0 =	sld [smem:$0x3F92];
	_ =	swait.ge [sflag:s4], $0x0  }
0x19: {  	s7 =	sld [smem:$0x3F93]  }
0x1a: {  	s8 =	sadd.s32 $0xFFFFE003, lr  }
0x1b: {  	s9 =	sadd.s32 $0xFFFFFEF7, lr;
	s5 =	simm.s32 $0xFFFFFFFF;
	p2 =	slt.u32 s8, $0xFFFFF086  }
0x1c: {  	p1 =	slt.u32 s9, $0xF7A;
	s5 =	simm.s32 @!p2 $0x0  }
0x1d: {  	s5 =	simm.s32 @p1 $0x1;
	p0 =	seq.s32 s7, s2  }
0x1e: {  	s7 =	smul.u32 @!p0 $0xF7A, s2;
	p2 =	seq.s32 @!p0 s5, $0x0  }
0x1f: {  	s9 =	smul.u32 $0xF7A, s1;
	s8 =	simm.s32 @!p0 $0x1BF5;
	p2 =	por !p2, p0  }
0x20: {  	[sflag:s8] =	ssyncset.s32 @!p0 $0xFFFFF086;
	s6 =	sadd.s32 @!p0 s3, s7;
	s7 =	simm.s32 @!p0 $0x108  }
0x21: {  	s3 =	sadd.s32 s3, s9;
	s6 =	sadd.s32 @!p0 $0x88, s6;
	s7 =	simm.s32 @p2 $0x1082  }
0x22: {  	[simem:s7], [sflag:s8] =	dma.local @!p0 [hbm:s6], $0xF7A  }
0x23: {  	s9 =	sor.u32 $0xD0000000, s2;
	s6 =	simm.s32 $0x108;
	_ =	swait.ge @!p0 [sflag:s8], $0x0  }
0x24: {  	s3 =	sadd.s32 $0x88, s3;
	s6 =	simm.s32 @!p1 $0x1082;
	[sflag:s4] =	ssyncset.s32 $0xFFFFF086  }
0x25: {  	[simem:s6], [sflag:s4] =	dma.local [hbm:s3], $0xF7A  }
0x26: {  	[smem:$0x3F93] =	sst s1;
	(tag) =	ssettag s2;
	_ =	strace s9  }
0x27: {  	s1 =	sld [smem:$0x3FA3]  }
0x28: {  	s2 =	sld [smem:$0x3FA4]  }
0x29: {  	s4 =	sld [smem:$0x3FA6]  }
0x2a: {  	p0 =	seq.s32 s5, $0x0;
	s5 =	sld [smem:$0x3FA7]  }
0x2b: {  	s6 =	sld [smem:$0x3FA8]  }
0x2c: {  	s7 =	sld [smem:$0x3FA9]  }
0x2d: {  	s3 =	simm.s32 $0x108;
	s8 =	sld [smem:$0x3FAA]  }
0x2e: {  	s3 =	simm.s32 @!p0 $0x1082;
	s9 =	sld [smem:$0x3FAB]  }
0x2f: {  	lr =	sadd.s32 s0, s3;
	s0 =	sld [smem:$0x3FA2]  }
0x30: {  	s3 =	sld [smem:$0x3FA5]  }
0x31: {  	[smem:$0x3FAE] =	sst s10  }
0x32: {  	s10 =	sld [smem:$0x3FAC];
	_ =	sdelay $0x3  }
0x33: {  	p0 =	seq.s32 s10, $0x1;
	s10 =	sld [smem:$0x3FAE];
	_ =	sdelay $0x3  }
0x34: {  	[smem:$0x3FAE] =	sst s10  }
0x35: {  	s10 =	sld [smem:$0x3FAD];
	_ =	sdelay $0x3  }
0x36: {  	p1 =	seq.s32 s10, $0x1;
	s10 =	sld [smem:$0x3FAE];
	_ =	sdelay $0x3  }
0x37: {  	[smem:$0x3FAE] =	sst s10  }
0x38: {  	s10 =	sld [smem:$0x3FAF]  }
0x39: {  	_ = 	snop;
	(pc) =	sbr.ind lr, $3  }
0x3a: {  	_ = 	snop  }
0x3b: {  	_ = 	snop  }
0x3c: {  	p2 =	seq.s32 s10, $0x1;
	s10 =	sld [smem:$0x3FAE]  }
0x3d: {  	_ =	shalt  }
0x3e: {  	_ =	shalt  }
0x3f: {  	_ =	shalt  }
0x40: {  	_ =	shalt  }
0x41: {  	_ =	shalt  }
0x42: {  	_ =	shalt  }
0x43: {  	_ =	shalt  }
0x44: {  	_ =	shalt  }
0x45: {  	_ =	shalt  }
0x46: {  	_ =	shalt  }
0x47: {  	_ =	shalt  }
0x48: {  	_ =	shalt  }
0x49: {  	_ =	shalt  }
0x4a: {  	_ =	shalt  }
0x4b: {  	_ =	shalt  }
0x4c: {  	_ =	shalt  }
0x4d: {  	_ =	shalt  }
0x4e: {  	_ =	shalt  }
0x4f: {  	_ =	shalt  }
0x50: {  	_ =	shalt  }
0x51: {  	_ =	shalt  }
0x52: {  	_ =	shalt  }
0x53: {  	_ =	shalt  }
0x54: {  	_ =	shalt  }
0x55: {  	_ =	shalt  }
0x56: {  	_ =	shalt  }
0x57: {  	_ =	shalt  }
0x58: {  	_ =	shalt  }
0x59: {  	_ =	shalt  }
0x5a: {  	_ =	shalt  }
0x5b: {  	_ =	shalt  }
0x5c: {  	_ =	shalt  }
0x5d: {  	_ =	shalt  }
0x5e: {  	_ =	shalt  }
0x5f: {  	_ =	shalt  }
0x60: {  	_ =	shalt  }
0x61: {  	_ =	shalt  }
0x62: {  	_ =	shalt  }
0x63: {  	_ =	shalt  }
0x64: {  	_ =	shalt  }
0x65: {  	_ =	shalt  }
0x66: {  	_ =	shalt  }
0x67: {  	_ =	shalt  }
0x68: {  	_ =	shalt  }
0x69: {  	_ =	shalt  }
0x6a: {  	_ =	shalt  }
0x6b: {  	_ =	shalt  }
0x6c: {  	_ =	shalt  }
0x6d: {  	_ =	shalt  }
0x6e: {  	_ =	shalt  }
0x6f: {  	_ =	shalt  }
0x70: {  	_ =	shalt  }
0x71: {  	_ =	shalt  }
0x72: {  	_ =	shalt  }
0x73: {  	_ =	shalt  }
0x74: {  	_ =	shalt  }
0x75: {  	_ =	shalt  }
0x76: {  	_ =	shalt  }
0x77: {  	_ =	shalt  }
0x78: {  	_ =	shalt  }
0x79: {  	_ =	shalt  }
0x7a: {  	_ =	shalt  }
0x7b: {  	_ =	shalt  }
0x7c: {  	_ =	shalt  }
0x7d: {  	_ =	shalt  }
0x7e: {  	_ =	shalt  }
0x7f: {  	_ =	shalt  }
0x80: {  	_ =	shalt  }
0x81: {  	_ =	shalt  }
0x82: {  	_ =	shalt  }
0x83: {  	_ =	shalt  }
0x84: {  	_ =	shalt  }
0x85: {  	_ =	shalt  }
0x86: {  	_ =	shalt  }
0x87: {  	_ =	shalt  }
.Lfunc_end0:
.L_simem_size_0:
called_computation.2_lowered:
.L_overlay_start_0:
0x88: {  	s2 =	sld [smem:$0x3FD9]  }
0x89: {  	s3 =	sld [smem:$0x3FFE];
	_ =	sdelay $0x1  }
0x8a: {  	s1 =	srdreg.scid  }
0x8b: {  	s0 =	sand.u32 $0x1, s1  }
0x8c: {  	s15 =	sshll.u32 s0, $0xA;
	s2 =	sadd.s32 s3, s2  }
0x8d: {  	s2 =	sadd.s32 s2, s15  }
0x8e: {  	[smem:$0x3FBA] =	sst s2  }
0x8f: {  	_ = 	snop  }
0x90: {  	s2 =	sld [smem:$0x3FD0];
	_ =	sdelay $0x2  }
0x91: {  	s16 =	simm.s32 $0xC;
	s4 =	simm.s32 $0x10  }
0x92: {  	[smem:s4], [sflag:s16] =	dma.local [hbm:s2], $0x1  }
0x93: {  	_ =	swait.eq [sflag:s16], $0x1  }
0x94: {  	[sflag:s16] =	ssyncset.done $0x0  }
0x95: {  	[sflag:s16] =	ssyncadd.s32 $0xFFFFFFFF  }
0x96: {  	s17 =	sld [smem:$0x11];
	(tm) =	ssettm $0x1  }
0x97: {  	s18 =	sld [smem:$0x3FFB];
	_ =	sdelay $0x3  }
0x98: {  	_ =	strace s18  }
0x99: {  	s2 =	sld [smem:$0x3FFC];
	_ =	sdelay $0x3  }
0x9a: {  	_ =	strace s2  }
0x9b: {  	s2 =	sld [smem:$0x3FFD];
	_ =	sdelay $0x3  }
0x9c: {  	_ =	strace s2  }
0x9d: {  	_ =	strace $0x8FFFFFFF  }
0x9e: {  	s19 =	sld [smem:$0x3FDB];
	_ =	sdelay $0x1  }
0x9f: {  	s20 =	simm.s32 $_scs_section_size  }
0xa0: {  	s5 =	simm.s32 $_size__tile_overlayer_lowered;
	s6 =	simm.s32 $_tile_overlayer_lowered  }
0xa1: {  	s7 =	simm.s32 $0x1BFF;
	s21 =	sshll.u32 s6, $0x1;
	s4 =	sadd.s32 s20, s19  }
0xa2: {  	s22 =	simm.s32 $0x0;
	s5 =	sshll.u32 s5, $0x1;
	s6 =	sadd.s32 s21, s4  }
0xa3: {  	[timem:s22], [sflag:s7] =	dma.local [hbm:s6], s5  }
0xa4: {  	_ =	swait.ge [sflag:s7], s5  }
0xa5: {  	s5 =	ssub.s32 $0x0, s5;
	[sflag:s7] =	ssyncset.done $0x0  }
0xa6: {  	[sflag:s7] =	ssyncadd.s32 s5;
	_ =	sdelay $0x1  }
0xa7: {  	s23 =	simm.s32 $0x1B8B  }
0xa8: {  	_ =	swait.ge [sflag:s23], $0x1  }
0xa9: {  	[sflag:s23] =	ssyncset.done $0x0  }
0xaa: {  	[sflag:s23] =	ssyncadd.s32 $0xFFFFFFFF  }
0xab: {  	s5 =	sld [smem:$0x0]  }
0xac: {  	s6 =	sand.u32 $0xFFFFFFFE, s1  }
0xad: {  	p0 =	sne.s32 s1, s6  }
0xae: {  	s6 =	sshll.u32 @p0 s6, $0xE  }
0xaf: {  	s6 =	sadd.s32 @p0 $0x11B8D, s6;
	s7 =	sshll.u32 @p0 s5, $0x11  }
0xb0: {  	s6 =	sor.u32 @p0 s7, s6  }
0xb1: {  	[sflag:s6] =	ssyncadd.remote.s32 @p0 $0x1;
	_ =	sdelay $0x1  }
0xb2: {  	s6 =	simm.s32 @p0 $0x1B8D  }
0xb3: {  	_ =	swait.eq @p0 [sflag:s6], $0x1  }
0xb4: {  	[sflag:s6] =	ssyncadd.s32 @p0 $0xFFFFFFFF  }
0xb5: {  	s7 =	sshll.u32 @!p0 s1, $0xE  }
0xb6: {  	s7 =	sor.u32 @!p0 $0x4000, s7;
	s6 =	simm.s32 @!p0 $0x1B8D  }
0xb7: {  	s5 =	sshll.u32 @!p0 s5, $0x11;
	s7 =	sadd.s32 @!p0 $0x11B8D, s7;
	_ =	swait.eq @!p0 [sflag:s6], $0x1  }
0xb8: {  	s5 =	sor.u32 @!p0 s5, s7;
	[sflag:s6] =	ssyncadd.s32 @!p0 $0xFFFFFFFF  }
0xb9: {  	s25 =	simm.s32 $0x1B8E;
	s24 =	sld [smem:$0x3FFE];
	[sflag:s5] =	ssyncadd.remote.s32 @!p0 $0x1  }
0xba: {  	s26 =	simm.s32 $execute0_lowered;
	[smem:$0x3FD2] =	sst s25  }
0xbb: {  	s6 =	sshll.u32 s26, $0x1;
	_ =	strace $0x8000004C;
	[dreg:$0x1] =	wrdreg $0xFFFFFFFF  }
0xbc: {  	s28 =	simm.s32 $_size_execute0_lowered;
	s4 =	sadd.s32 s4, s6;
	[dreg:$0x0] =	wrdreg $0x0  }
0xbd: {  	s6 =	sshll.u32 s28, $0x1;
	[dreg:$0x2] =	wrdreg s4  }
0xbe: {  	[dreg:$0x3] =	wrdreg s6  }
0xbf: {  	[dreg:$0x4] =	wrdreg $0xC0  }
0xc0: {  	_ =	task [dreg:s22], $0x5FFFF  }
0xc1: {  	[dreg:$0x1] =	wrdreg $0xFFFFFFFF  }
0xc2: {  	[dreg:$0x0] =	wrdreg $0x60  }
0xc3: {  	[dreg:$0x2] =	wrdreg s24  }
0xc4: {  	[dreg:$0x3] =	wrdreg s17  }
0xc5: {  	[dreg:$0x4] =	wrdreg $0xB  }
0xc6: {  	_ =	task.clear_ibuf [dreg:s22], $0x5FFFF;
	_ =	strace $0x9000004C  }
0xc7: {  	s29 =	simm.s32 $0xB;
	_ =	strace $0x8000004E  }
0xc8: {  	_ =	swait.ge [sflag:s29], $0x1  }
0xc9: {  	[sflag:s29] =	ssyncadd.s32 $0xFFFFFFFF  }
0xca: {  	_ =	strace $0x9000004E  }
0xcb: {  	_ =	sfence  }
0xcc: {  	s30 =	sld [smem:$0x0];
	_ =	sdelay $0x2  }
0xcd: {  	s31 =	sshll.u32 s1, $0xD;
	s1 =	sshrl.u32 s1, $0x2  }
0xce: {  	s4 =	sand.u32 $0x4000, s31;
	s1 =	sadd.s32 s1, s30  }
0xcf: {  	s0 =	sor.u32 s4, s0;
	s1 =	sshll.u32 s1, $0x11  }
0xd0: {  	s0 =	sor.u32 s1, s0  }
0xd1: {  	s0 =	sadd.s32 $0x8F2B, s0  }
0xd2: {  	[sflag:s0] =	ssyncadd.remote.s32 $0x1  }
0xd3: {  	_ =	sfence.sel $0xFFFF  }
0xd4: {  	[dreg:$0x0] =	wrdreg $0xFFFFFFFF;
	(pc) =	sbr.abs _section_cstart, $3  }
0xd5: {  	[dreg:$0x1] =	wrdreg $0xFFFFFFFF  }
0xd6: {  	_ =	task.clear_ibuf [dreg:s22], $0x2FFFF;
	_ =	strace $0x9FFFFFFF  }
0xd7: {  	(tm) =	ssettm $0x7FFFFFFF  }
tec
execute0_lowered:
.L_overlay_start_1:
0x0: {  	(tag) =	ssettag $0x1  }
0x1: {  	s1 =	srdreg.scid  }
0x2: {  	s0 =	stileid.u32;
	s4 =	rddreg [dreg:$0x0]  }
0x3: {  	s6 =	rddreg [dreg:$0x1];
	s2 =	simm.s32 $0x0;
	s14 =	simm.s32 $0x2  }
0x4: {  	s15 =	simm.s32 $0x0;
	s5 =	sand.u32 $0x1, s1;
	s10 =	smul.u32 $0x64000, s0  }
0x5: {  	s22 =	sshll.u32 s0, $0x1;
	s1 =	rddreg [dreg:$0x2];
	s12 =	smul.u32 $0x1900, s0  }
0x6: {  	[smem:$0x7FF] =	sst s2;
	s13 =	sadd.s32 $0x24D800, s4;
	s23 =	smul.u32 $0xC80, s5  }
0x7: {  	s3 =	sor.u32 s5, s22;
	s9 =	ssub.s32 $0x2, s5;
	s26 =	smul.u32 $0x32000, s5  }
0x8: {  	_ =	strace $0x8000004D;
	s7 =	smul.u32 $0xC80, s3;
	s11 =	sshrl.u32 s9, $0x1  }
0x9: {  	s8 =	smul.u32 $0x32000, s3;
	s3 =	sadd.s32 $0x18A200, s4;
	s9 =	ssub.s32 s9, s11  }
0xa: {  	s29 =	sadd.s32 s23, s12;
	s30 =	sadd.s32 s26, s10;
	s10 =	simm.s32 $0xC80  }
0xb: {  	s11 =	simm.s32 $0x80;
	s12 =	simm.s32 $0x2C80;
	s24 =	sshrl.u32 s7, $0x3  }
0xc: {  	s25 =	sshrl.u32 s8, $0x3;
	s31 =	sshll.u32 s29, $0x3;
	s7 =	sshrl.u32 s30, $0x3  }
0xd: {  	s4 =	sadd.s32 s6, s24;
	s28 =	sadd.s32 s13, s25;
	s6 =	smax.u32 s9, $0x1  }
0xe: {  	s8 =	sadd.s32 s13, s31;
	s7 =	sadd.s32 s7, s13;
	s9 =	simm.s32 $0x3  }
0xf: {  	s13 =	simm.s32 $0x1;
	s5 =	sadd.s32 $0x6000, s28;
	s8 =	sadd.s32 $0x400, s8  }
.LBB2_1:
0x10: {  	[tilespmem:s2], [sflag:$0x3] =	stream.linear.gather [hbm4b:s4+s2], $0xC80, $0x38;
	[tilespmem:$0x4C80] =	vst v63  }
0x11: {  	_ =	swait.ge [sflag:s9], $0xC80  }
0x12: {  	[sflag:s9] =	ssyncset.done $0x0  }
0x13: {  	[sflag:s9] =	ssyncadd.s32 $0xFFFFF380  }
0x14: {  	[tilespmem:s10], [sflag:$0x1] =	stream.indirect.gather [hbm4b:s3+s11], $0x40, s2, s11, $0xb8;
	[tilespmem:$0x4C80] =	vst v63  }
0x15: {  	_ = 	snop  }
0x16: {  	[tilespmem:s12], [sflag:$0x2] =	stream.indirect.gather [hbm4b:s3+s11], $0x40, s11, s11, $0xb8;
	[tilespmem:$0x4C80] =	vst v63  }
0x17: {  	_ =	swait.ge [sflag:s13], $0x2000  }
0x18: {  	[sflag:s13] =	ssyncset.done $0x0  }
0x19: {  	s16 =	sadd.s32 $0x0, s7;
	[sflag:s13] =	ssyncadd.s32 $0xFFFFE000  }
0x1a: {  	[hbm4b:s16+s2] =	stream.linear.scatter [tilespmem:s10], [sflag:$0x3], $0x2000, $0x38;
	[tilespmem:$0x4C80] =	vst v63  }
0x1b: {  	_ =	swait.ge [sflag:s9], $0x2000  }
0x1c: {  	[sflag:s9] =	ssyncset.done $0x0  }
0x1d: {  	s30 =	simm.s32 $0x100;
	[sflag:s9] =	ssyncadd.s32 $0xFFFFE000  }
0x1e: {  	[tilespmem:s10], [sflag:$0x1] =	stream.indirect.gather [hbm4b:s3+s11], $0x40, s30, s11, $0xb8;
	[tilespmem:$0x4C80] =	vst v63  }
0x1f: {  	_ =	swait.ge [sflag:s14], $0x2000  }
0x20: {  	[sflag:s14] =	ssyncset.done $0x0  }
0x21: {  	s31 =	sadd.s32 $0x0, s8;
	[sflag:s14] =	ssyncadd.s32 $0xFFFFE000  }
0x22: {  	[hbm4b:s31+s2] =	stream.linear.scatter [tilespmem:s12], [sflag:$0x3], $0x2000, $0x38;
	[tilespmem:$0x4C80] =	vst v63  }
0x23: {  	_ =	swait.ge [sflag:s9], $0x2000  }
0x24: {  	s17 =	simm.s32 $0x80;
	s16 =	simm.s32 $0x800;
	[sflag:s9] =	ssyncset.done $0x0  }
.LBB2_2:
0x25: {  	p0 =	sne.s32 s16, $0x5800;
	[sflag:s9] =	ssyncadd.s32 $0xFFFFE000;
	s17 =	sadd.s32 $0x100, s17  }
0x26: {  	[tilespmem:s12], [sflag:$0x2] =	stream.indirect.gather [hbm4b:s3+s11], $0x40, s17, s11, $0xb8;
	[tilespmem:$0x4C80] =	vst v63  }
0x27: {  	s18 =	smov.u32 s16;
	s16 =	sadd.s32 $0x800, s16;
	_ =	swait.ge [sflag:s13], $0x2000  }
0x28: {  	[sflag:s13] =	ssyncset.done $0x0  }
0x29: {  	s19 =	sadd.s32 s18, s7;
	[sflag:s13] =	ssyncadd.s32 $0xFFFFE000  }
0x2a: {  	[hbm4b:s19+s2] =	stream.linear.scatter [tilespmem:s10], [sflag:$0x3], $0x2000, $0x38;
	[tilespmem:$0x4C80] =	vst v63  }
0x2b: {  	_ =	swait.ge [sflag:s9], $0x2000  }
0x2c: {  	[sflag:s9] =	ssyncset.done $0x0  }
0x2d: {  	s19 =	sadd.s32 $0x80, s17;
	[sflag:s9] =	ssyncadd.s32 $0xFFFFE000  }
0x2e: {  	[tilespmem:s10], [sflag:$0x1] =	stream.indirect.gather [hbm4b:s3+s11], $0x40, s19, s11, $0xb8;
	[tilespmem:$0x4C80] =	vst v63  }
0x2f: {  	_ =	swait.ge [sflag:s14], $0x2000  }
.Ltmp0:
0x30: {  	[sflag:s14] =	ssyncset.done $0x0;
	(pc) =	sbr.rel @p0 .LBB2_2-.Ltmp0, $4  }
0x31: {  	s18 =	sadd.s32 s18, s8;
	[sflag:s14] =	ssyncadd.s32 $0xFFFFE000  }
0x32: {  	[hbm4b:s18+s2] =	stream.linear.scatter [tilespmem:s12], [sflag:$0x3], $0x2000, $0x38;
	[tilespmem:$0x4C80] =	vst v63  }
0x33: {  	_ =	swait.ge [sflag:s9], $0x2000  }
0x34: {  	[sflag:s9] =	ssyncset.done $0x0  }
0x35: {  	[sflag:s9] =	ssyncadd.s32 $0xFFFFE000  }
0x36: {  	s15 =	sadd.s32 $0x1, s15;
	_ =	swait.ge [sflag:s13], $0x2000  }
0x37: {  	p0 =	sne.s32 s15, s6;
	[sflag:s13] =	ssyncset.done $0x0  }
.Ltmp1:
0x38: {  	[sflag:s13] =	ssyncadd.s32 $0xFFFFE000;
	(pc) =	sbr.rel @p0 .LBB2_1-.Ltmp1, $4  }
0x39: {  	[hbm4b:s5+s2] =	stream.linear.scatter [tilespmem:s10], [sflag:$0x3], $0x2000, $0x38;
	[tilespmem:$0x4C80] =	vst v63  }
0x3a: {  	_ =	swait.ge [sflag:s9], $0x2000  }
0x3b: {  	[sflag:s9] =	ssyncset.done $0x0  }
0x3c: {  	[sflag:s9] =	ssyncadd.s32 $0xFFFFE000  }
0x3d: {  	_ =	sfence.sel $0x180000  }
0x3e: {  	[bflag:$0x0] =	sbarrier.arrive $0xFFFF  }
0x3f: {  	p0 =	sne.s32 s0, $0x0;
	_ =	strace $0x9000004D  }
0x40: {  	s0 =	sadd.s32 @!p0 $0x100000, s1;
	[bflag:$0x2] =	sbarrier.arrive $0xFFFF  }
0x41: {  	[sflag:s0] =	ssyncadd.tile.s32 @!p0 $0x1;
	_ =	shalt  }
.Lfunc_end2:
_tile_overlayer_lowered:
.L_overlay_start_2:
0x42: {  	(tag) =	ssettag $0x2  }
0x43: {  	s0 =	rddreg [dreg:$0x0];
	s2 =	stileid.u32  }
0x44: {  	s1 =	rddreg [dreg:$0x1];
	p0 =	sne.s32 s2, $0x0  }
0x45: {  	s3 =	rddreg [dreg:$0x2];
	[bflag:$0x3] =	sbarrier.arrive $0xFFFF;
	s2 =	simm.s32 @!p0 $0x1C03  }
0x46: {  	[timem:s3], [sflag:s2] =	dma.local @!p0 [hbm:s0], s1  }
0x47: {  	s0 =	simm.s32 @!p0 $0x3  }
0x48: {  	_ =	swait.ge @!p0 [sflag:s0], s1  }
0x49: {  	s1 =	ssub.s32 @!p0 $0x0, s1;
	[sflag:s0] =	ssyncset.done @!p0 $0x0  }
0x4a: {  	[sflag:s0] =	ssyncadd.s32 @!p0 s1  }
0x4b: {  	[bflag:$0x3] =	sbarrier.arrive $0xFFFF  }
0x4c: {  	_ =	shalt  }

// kernel: kernel.8.cloned.1.call-start
scs
__scs_entry_jumppad:
0x0: {  	(pc) =	sbr.rel $0x88, $3  }
0x1: {  	(tag) =	ssettag $0x0;
	lr =	simm.s32 $0x1  }
0x2: {  	[smem:$0x3F93] =	sst lr;
	_ =	strace $0xD0000000  }
0x3: {  	_ = 	snop  }
0x4: {  	_ = 	snop  }
0x5: {  	_ = 	snop  }
0x6: {  	_ = 	snop  }
0x7: {  	_ = 	snop  }
__scs_overlays_trampoline_lowered:
0x8: {  	[smem:$0x3FA2] =	sst s0  }
0x9: {  	[smem:$0x3FA3] =	sst s1  }
0xa: {  	[smem:$0x3FA4] =	sst s2  }
0xb: {  	[smem:$0x3FA5] =	sst s3  }
0xc: {  	[smem:$0x3FA6] =	sst s4  }
0xd: {  	[smem:$0x3FA7] =	sst s5  }
0xe: {  	[smem:$0x3FA8] =	sst s6  }
0xf: {  	[smem:$0x3FA9] =	sst s7  }
0x10: {  	[smem:$0x3FAA] =	sst s8  }
0x11: {  	[smem:$0x3FAB] =	sst s9;
	s0 =	simm.s32 @!p0 $0x0  }
0x12: {  	s1 =	sld [smem:$0x3F91];
	s0 =	simm.s32 @p0 $0x1  }
0x13: {  	[smem:$0x3FAC] =	sst s0;
	s0 =	simm.s32 @!p1 $0x0  }
0x14: {  	s2 =	sld [smem:$0x3F90];
	s0 =	simm.s32 @p1 $0x1  }
0x15: {  	[smem:$0x3FAD] =	sst s0;
	s0 =	simm.s32 @!p2 $0x0  }
0x16: {  	s3 =	sld [smem:$0x3FDB];
	s0 =	simm.s32 @p2 $0x1  }
0x17: {  	s4 =	simm.s32 $0x1BF5;
	[smem:$0x3FAF] =	sst s0  }
0x18: {  	s0 =	sld [smem:$0x3F92];
	_ =	swait.ge [sflag:s4], $0x0  }
0x19: {  	s7 =	sld [smem:$0x3F93]  }
0x1a: {  	s8 =	sadd.s32 $0xFFFFE003, lr  }
0x1b: {  	s9 =	sadd.s32 $0xFFFFFEF7, lr;
	s5 =	simm.s32 $0xFFFFFFFF;
	p2 =	slt.u32 s8, $0xFFFFF086  }
0x1c: {  	p1 =	slt.u32 s9, $0xF7A;
	s5 =	simm.s32 @!p2 $0x0  }
0x1d: {  	s5 =	simm.s32 @p1 $0x1;
	p0 =	seq.s32 s7, s2  }
0x1e: {  	s7 =	smul.u32 @!p0 $0xF7A, s2;
	p2 =	seq.s32 @!p0 s5, $0x0  }
0x1f: {  	s9 =	smul.u32 $0xF7A, s1;
	s8 =	simm.s32 @!p0 $0x1BF5;
	p2 =	por !p2, p0  }
0x20: {  	[sflag:s8] =	ssyncset.s32 @!p0 $0xFFFFF086;
	s6 =	sadd.s32 @!p0 s3, s7;
	s7 =	simm.s32 @!p0 $0x108  }
0x21: {  	s3 =	sadd.s32 s3, s9;
	s6 =	sadd.s32 @!p0 $0x88, s6;
	s7 =	simm.s32 @p2 $0x1082  }
0x22: {  	[simem:s7], [sflag:s8] =	dma.local @!p0 [hbm:s6], $0xF7A  }
0x23: {  	s9 =	sor.u32 $0xD0000000, s2;
	s6 =	simm.s32 $0x108;
	_ =	swait.ge @!p0 [sflag:s8], $0x0  }
0x24: {  	s3 =	sadd.s32 $0x88, s3;
	s6 =	simm.s32 @!p1 $0x1082;
	[sflag:s4] =	ssyncset.s32 $0xFFFFF086  }
0x25: {  	[simem:s6], [sflag:s4] =	dma.local [hbm:s3], $0xF7A  }
0x26: {  	[smem:$0x3F93] =	sst s1;
	(tag) =	ssettag s2;
	_ =	strace s9  }
0x27: {  	s1 =	sld [smem:$0x3FA3]  }
0x28: {  	s2 =	sld [smem:$0x3FA4]  }
0x29: {  	s4 =	sld [smem:$0x3FA6]  }
0x2a: {  	p0 =	seq.s32 s5, $0x0;
	s5 =	sld [smem:$0x3FA7]  }
0x2b: {  	s6 =	sld [smem:$0x3FA8]  }
0x2c: {  	s7 =	sld [smem:$0x3FA9]  }
0x2d: {  	s3 =	simm.s32 $0x108;
	s8 =	sld [smem:$0x3FAA]  }
0x2e: {  	s3 =	simm.s32 @!p0 $0x1082;
	s9 =	sld [smem:$0x3FAB]  }
0x2f: {  	lr =	sadd.s32 s0, s3;
	s0 =	sld [smem:$0x3FA2]  }
0x30: {  	s3 =	sld [smem:$0x3FA5]  }
0x31: {  	[smem:$0x3FAE] =	sst s10  }
0x32: {  	s10 =	sld [smem:$0x3FAC];
	_ =	sdelay $0x3  }
0x33: {  	p0 =	seq.s32 s10, $0x1;
	s10 =	sld [smem:$0x3FAE];
	_ =	sdelay $0x3  }
0x34: {  	[smem:$0x3FAE] =	sst s10  }
0x35: {  	s10 =	sld [smem:$0x3FAD];
	_ =	sdelay $0x3  }
0x36: {  	p1 =	seq.s32 s10, $0x1;
	s10 =	sld [smem:$0x3FAE];
	_ =	sdelay $0x3  }
0x37: {  	[smem:$0x3FAE] =	sst s10  }
0x38: {  	s10 =	sld [smem:$0x3FAF]  }
0x39: {  	_ = 	snop;
	(pc) =	sbr.ind lr, $3  }
0x3a: {  	_ = 	snop  }
0x3b: {  	_ = 	snop  }
0x3c: {  	p2 =	seq.s32 s10, $0x1;
	s10 =	sld [smem:$0x3FAE]  }
0x3d: {  	_ =	shalt  }
0x3e: {  	_ =	shalt  }
0x3f: {  	_ =	shalt  }
0x40: {  	_ =	shalt  }
0x41: {  	_ =	shalt  }
0x42: {  	_ =	shalt  }
0x43: {  	_ =	shalt  }
0x44: {  	_ =	shalt  }
0x45: {  	_ =	shalt  }
0x46: {  	_ =	shalt  }
0x47: {  	_ =	shalt  }
0x48: {  	_ =	shalt  }
0x49: {  	_ =	shalt  }
0x4a: {  	_ =	shalt  }
0x4b: {  	_ =	shalt  }
0x4c: {  	_ =	shalt  }
0x4d: {  	_ =	shalt  }
0x4e: {  	_ =	shalt  }
0x4f: {  	_ =	shalt  }
0x50: {  	_ =	shalt  }
0x51: {  	_ =	shalt  }
0x52: {  	_ =	shalt  }
0x53: {  	_ =	shalt  }
0x54: {  	_ =	shalt  }
0x55: {  	_ =	shalt  }
0x56: {  	_ =	shalt  }
0x57: {  	_ =	shalt  }
0x58: {  	_ =	shalt  }
0x59: {  	_ =	shalt  }
0x5a: {  	_ =	shalt  }
0x5b: {  	_ =	shalt  }
0x5c: {  	_ =	shalt  }
0x5d: {  	_ =	shalt  }
0x5e: {  	_ =	shalt  }
0x5f: {  	_ =	shalt  }
0x60: {  	_ =	shalt  }
0x61: {  	_ =	shalt  }
0x62: {  	_ =	shalt  }
0x63: {  	_ =	shalt  }
0x64: {  	_ =	shalt  }
0x65: {  	_ =	shalt  }
0x66: {  	_ =	shalt  }
0x67: {  	_ =	shalt  }
0x68: {  	_ =	shalt  }
0x69: {  	_ =	shalt  }
0x6a: {  	_ =	shalt  }
0x6b: {  	_ =	shalt  }
0x6c: {  	_ =	shalt  }
0x6d: {  	_ =	shalt  }
0x6e: {  	_ =	shalt  }
0x6f: {  	_ =	shalt  }
0x70: {  	_ =	shalt  }
0x71: {  	_ =	shalt  }
0x72: {  	_ =	shalt  }
0x73: {  	_ =	shalt  }
0x74: {  	_ =	shalt  }
0x75: {  	_ =	shalt  }
0x76: {  	_ =	shalt  }
0x77: {  	_ =	shalt  }
0x78: {  	_ =	shalt  }
0x79: {  	_ =	shalt  }
0x7a: {  	_ =	shalt  }
0x7b: {  	_ =	shalt  }
0x7c: {  	_ =	shalt  }
0x7d: {  	_ =	shalt  }
0x7e: {  	_ =	shalt  }
0x7f: {  	_ =	shalt  }
0x80: {  	_ =	shalt  }
0x81: {  	_ =	shalt  }
0x82: {  	_ =	shalt  }
0x83: {  	_ =	shalt  }
0x84: {  	_ =	shalt  }
0x85: {  	_ =	shalt  }
0x86: {  	_ =	shalt  }
0x87: {  	_ =	shalt  }
.Lfunc_end0:
.L_simem_size_0:
called_computation_lowered:
.L_overlay_start_0:
0x88: {  	s2 =	sld [smem:$0x3FD9]  }
0x89: {  	s3 =	sld [smem:$0x3FFE];
	_ =	sdelay $0x1  }
0x8a: {  	s1 =	srdreg.scid  }
0x8b: {  	s0 =	sand.u32 $0x1, s1  }
0x8c: {  	s14 =	sshll.u32 s0, $0xA;
	s2 =	sadd.s32 s3, s2  }
0x8d: {  	s2 =	sadd.s32 s2, s14  }
0x8e: {  	[smem:$0x3FBA] =	sst s2  }
0x8f: {  	_ = 	snop  }
0x90: {  	s2 =	sld [smem:$0x3FD0];
	_ =	sdelay $0x2  }
0x91: {  	s15 =	simm.s32 $0xC;
	s4 =	simm.s32 $0x10  }
0x92: {  	[smem:s4], [sflag:s15] =	dma.local [hbm:s2], $0x1  }
0x93: {  	_ =	swait.eq [sflag:s15], $0x1  }
0x94: {  	[sflag:s15] =	ssyncset.done $0x0  }
0x95: {  	s16 =	sld [smem:$0x12];
	[sflag:s15] =	ssyncadd.s32 $0xFFFFFFFF  }
0x96: {  	s17 =	sld [smem:$0x13];
	(tm) =	ssettm $0x1  }
0x97: {  	s18 =	sld [smem:$0x3FFB];
	_ =	sdelay $0x3  }
0x98: {  	_ =	strace s18  }
0x99: {  	s4 =	sld [smem:$0x3FFC];
	_ =	sdelay $0x3  }
0x9a: {  	_ =	strace s4  }
0x9b: {  	s4 =	sld [smem:$0x3FFD];
	_ =	sdelay $0x3  }
0x9c: {  	_ =	strace s4  }
0x9d: {  	_ =	strace $0x8FFFFFFF  }
0x9e: {  	s19 =	sld [smem:$0x3FDB];
	_ =	sdelay $0x1  }
0x9f: {  	s5 =	simm.s32 $_scs_section_size  }
0xa0: {  	s6 =	simm.s32 $_size__tile_overlayer_lowered;
	s7 =	simm.s32 $_tile_overlayer_lowered  }
0xa1: {  	s22 =	simm.s32 $0x1BFF;
	s21 =	sshll.u32 s7, $0x1;
	s4 =	sadd.s32 s5, s19  }
0xa2: {  	s8 =	simm.s32 $0x0;
	s20 =	sshll.u32 s6, $0x1;
	s6 =	sadd.s32 s21, s4  }
0xa3: {  	[timem:s8], [sflag:s22] =	dma.local [hbm:s6], s20  }
0xa4: {  	_ =	swait.ge [sflag:s22], s20  }
0xa5: {  	s5 =	ssub.s32 $0x0, s20;
	[sflag:s22] =	ssyncset.done $0x0  }
0xa6: {  	[sflag:s22] =	ssyncadd.s32 s5;
	_ =	sdelay $0x1  }
0xa7: {  	s23 =	simm.s32 $0x1B8B  }
0xa8: {  	_ =	swait.ge [sflag:s23], $0x1  }
0xa9: {  	[sflag:s23] =	ssyncset.done $0x0  }
0xaa: {  	s25 =	simm.s32 $0x1B8E;
	s24 =	sld [smem:$0x3FFE];
	[sflag:s23] =	ssyncadd.s32 $0xFFFFFFFF  }
0xab: {  	s26 =	simm.s32 $execute0_lowered;
	[smem:$0x3FD2] =	sst s25  }
0xac: {  	s6 =	sshll.u32 s26, $0x1;
	_ =	strace $0x80000046;
	[dreg:$0x1] =	wrdreg $0xFFFFFFFF  }
0xad: {  	s28 =	simm.s32 $_size_execute0_lowered;
	s4 =	sadd.s32 s4, s6;
	[dreg:$0x0] =	wrdreg $0x0  }
0xae: {  	s6 =	sshll.u32 s28, $0x1;
	[dreg:$0x2] =	wrdreg s4  }
0xaf: {  	[dreg:$0x3] =	wrdreg s6  }
0xb0: {  	[dreg:$0x4] =	wrdreg $0xC0  }
0xb1: {  	_ =	task [dreg:s8], $0x5FFFF  }
0xb2: {  	[dreg:$0x1] =	wrdreg $0xFFFFFFFF  }
0xb3: {  	[dreg:$0x0] =	wrdreg $0x60  }
0xb4: {  	[dreg:$0x2] =	wrdreg s24  }
0xb5: {  	[dreg:$0x3] =	wrdreg s16  }
0xb6: {  	[dreg:$0x4] =	wrdreg s17  }
0xb7: {  	[dreg:$0x5] =	wrdreg $0x9  }
0xb8: {  	_ =	task.clear_ibuf [dreg:s8], $0x6FFFF;
	_ =	strace $0x90000046  }
0xb9: {  	s29 =	simm.s32 $0x9;
	_ =	strace $0x80000048  }
0xba: {  	_ =	swait.ge [sflag:s29], $0x1  }
0xbb: {  	[sflag:s29] =	ssyncadd.s32 $0xFFFFFFFF  }
0xbc: {  	_ =	strace $0x90000048  }
0xbd: {  	_ =	sfence  }
0xbe: {  	s30 =	sld [smem:$0x0];
	_ =	sdelay $0x2  }
0xbf: {  	s31 =	sshll.u32 s1, $0xD;
	s1 =	sshrl.u32 s1, $0x2  }
0xc0: {  	s3 =	sand.u32 $0x4000, s31;
	s1 =	sadd.s32 s1, s30  }
0xc1: {  	s0 =	sor.u32 s3, s0;
	s1 =	sshll.u32 s1, $0x11  }
0xc2: {  	s0 =	sor.u32 s1, s0  }
0xc3: {  	s0 =	sadd.s32 $0x8F2B, s0  }
0xc4: {  	[sflag:s0] =	ssyncadd.remote.s32 $0x1  }
0xc5: {  	_ =	sfence.sel $0xFFFF  }
0xc6: {  	[dreg:$0x0] =	wrdreg $0xFFFFFFFF;
	(pc) =	sbr.abs _section_cstart, $3  }
0xc7: {  	[dreg:$0x1] =	wrdreg $0xFFFFFFFF  }
0xc8: {  	_ =	task.clear_ibuf [dreg:s8], $0x2FFFF;
	_ =	strace $0x9FFFFFFF  }
0xc9: {  	(tm) =	ssettm $0x7FFFFFFF  }
tec
execute0_lowered:
.L_overlay_start_1:
0x0: {  	(tag) =	ssettag $0x1  }
0x1: {  	s5 =	rddreg [dreg:$0x0]  }
0x2: {  	s1 =	srdreg.scid;
	s3 =	rddreg [dreg:$0x1]  }
0x3: {  	s0 =	stileid.u32;
	s8 =	rddreg [dreg:$0x2];
	s6 =	sand.u32 $0x1, s1  }
0x4: {  	s2 =	simm.s32 $0x0;
	s4 =	sshll.u32 s0, $0x7;
	s7 =	sshll.u32 s6, $0x6  }
0x5: {  	[smem:$0x7FF] =	sst s2;
	s9 =	sor.u32 s7, s4  }
0x6: {  	s1 =	rddreg [dreg:$0x3];
	_ =	strace $0x80000047;
	s4 =	sshrl.u32 s9, $0x3  }
0x7: {  	s10 =	ssub.s32 $0x2, s6;
	s4 =	sadd.s32 s3, s4;
	s3 =	simm.s32 $0x2  }
0x8: {  	[tilespmem:s2], [sflag:$0x2] =	stream.linear.gather [hbm4b:s4+s2], $0x40, $0x38;
	[tilespmem:$0x1040] =	vst v63  }
0x9: {  	s5 =	sadd.s32 $0x18A200, s5;
	s11 =	sshrl.u32 s10, $0x1;
	_ =	swait.ge [sflag:s3], $0x40  }
0xa: {  	s6 =	simm.s32 $0x40;
	s10 =	ssub.s32 s10, s11;
	[sflag:s3] =	ssyncset.done $0x0  }
0xb: {  	s7 =	simm.s32 $0x1;
	s31 =	smax.u32 s10, $0x1;
	[sflag:s3] =	ssyncadd.s32 $0xFFFFFFC0  }
0xc: {  	[tilespmem:s6], [sflag:$0x1] =	stream.indirect.gather [hbm4b:s5+s6], $0x40, s2, s6, $0xb8;
	[tilespmem:$0x1040] =	vst v63  }
0xd: {  	p0 =	sne.s32 s31, $0x1;
	_ =	swait.ge [sflag:s7], $0x1000  }
.Ltmp0:
0xe: {  	s9 =	sshll.u32 s9, $0x3;
	[sflag:s7] =	ssyncset.done $0x0;
	(pc) =	sbr.rel @!p0 .LBB2_2-.Ltmp0, $4  }
0xf: {  	s8 =	sadd.s32 s8, s9;
	[sflag:s7] =	ssyncadd.s32 $0xFFFFF000  }
0x10: {  	[hbm4b:s8+s2] =	stream.linear.scatter [tilespmem:s6], [sflag:$0x2], $0x1000, $0x38;
	[tilespmem:$0x1040] =	vst v63  }
0x11: {  	_ =	swait.ge [sflag:s3], $0x1000  }
0x12: {  	s9 =	sadd.s32 $0xFFFFFFFF, s31;
	[sflag:s3] =	ssyncset.done $0x0  }
.LBB2_1:
0x13: {  	p0 =	sne.s32 s9, $0x1;
	s9 =	sadd.s32 $0xFFFFFFFF, s9;
	[sflag:s3] =	ssyncadd.s32 $0xFFFFF000  }
0x14: {  	[tilespmem:s2], [sflag:$0x2] =	stream.linear.gather [hbm4b:s4+s2], $0x40, $0x38;
	[tilespmem:$0x1040] =	vst v63  }
0x15: {  	_ =	swait.ge [sflag:s3], $0x40  }
0x16: {  	[sflag:s3] =	ssyncset.done $0x0  }
0x17: {  	[sflag:s3] =	ssyncadd.s32 $0xFFFFFFC0  }
0x18: {  	[tilespmem:s6], [sflag:$0x1] =	stream.indirect.gather [hbm4b:s5+s6], $0x40, s2, s6, $0xb8;
	[tilespmem:$0x1040] =	vst v63  }
0x19: {  	_ =	swait.ge [sflag:s7], $0x1000  }
.Ltmp1:
0x1a: {  	[sflag:s7] =	ssyncset.done $0x0;
	(pc) =	sbr.rel @p0 .LBB2_1-.Ltmp1, $4  }
0x1b: {  	[sflag:s7] =	ssyncadd.s32 $0xFFFFF000  }
0x1c: {  	[hbm4b:s8+s2] =	stream.linear.scatter [tilespmem:s6], [sflag:$0x2], $0x1000, $0x38;
	[tilespmem:$0x1040] =	vst v63  }
0x1d: {  	_ =	swait.ge [sflag:s3], $0x1000  }
0x1e: {  	[sflag:s3] =	ssyncset.done $0x0  }
.LBB2_2:
0x1f: {  	[sflag:s3] =	ssyncadd.s32 $0xFFFFF000  }
0x20: {  	_ =	sfence.sel $0x180000  }
0x21: {  	[bflag:$0x0] =	sbarrier.arrive $0xFFFF  }
0x22: {  	p0 =	sne.s32 s0, $0x0;
	_ =	strace $0x90000047  }
0x23: {  	s0 =	sadd.s32 @!p0 $0x100000, s1;
	[bflag:$0x2] =	sbarrier.arrive $0xFFFF  }
0x24: {  	[sflag:s0] =	ssyncadd.tile.s32 @!p0 $0x1;
	_ =	shalt  }
.Lfunc_end2:
_tile_overlayer_lowered:
.L_overlay_start_2:
0x25: {  	(tag) =	ssettag $0x2  }
0x26: {  	s0 =	rddreg [dreg:$0x0];
	s2 =	stileid.u32  }
0x27: {  	s1 =	rddreg [dreg:$0x1];
	p0 =	sne.s32 s2, $0x0  }
0x28: {  	s3 =	rddreg [dreg:$0x2];
	[bflag:$0x3] =	sbarrier.arrive $0xFFFF;
	s2 =	simm.s32 @!p0 $0x1C02  }
0x29: {  	[timem:s3], [sflag:s2] =	dma.local @!p0 [hbm:s0], s1  }
0x2a: {  	s0 =	simm.s32 @!p0 $0x2  }
0x2b: {  	_ =	swait.ge @!p0 [sflag:s0], s1  }
0x2c: {  	s1 =	ssub.s32 @!p0 $0x0, s1;
	[sflag:s0] =	ssyncset.done @!p0 $0x0  }
0x2d: {  	[sflag:s0] =	ssyncadd.s32 @!p0 s1  }
0x2e: {  	[bflag:$0x3] =	sbarrier.arrive $0xFFFF  }
0x2f: {  	_ =	shalt  }

</sc_bundles>
